<compile_context>
chip_gen: v7x
topology: tpu7x:2x2x1
jax: 0.10.2.dev20260603
libtpu: 0.0.44.dev20260713+nightly
codegen_flags: <defaults>
</compile_context>

<pallas_src>
import functools

import jax
import jax.numpy as jnp
from jax import lax
from jax.experimental import pallas as pl
from jax.experimental.pallas import tpu as pltpu
from jax.experimental.pallas import tpu_sc as plsc

_NC = 2
_NS = 16
_NW = _NC * _NS

_CHUNK = 80
_NBUF = 12
_DEPTH = 6


def _gather_rows_sc(x2d, indices, nbatch, n):
    k = indices.shape[0]
    d = x2d.shape[1]
    g = _CHUNK
    lanes = _NW // nbatch
    cpb = k // g
    pc = cpb // lanes
    rem = cpb % lanes
    max_pc = pc + (1 if rem else 0)
    mesh = plsc.VectorSubcoreMesh(core_axis_name="c", subcore_axis_name="s")

    @functools.partial(
        pl.kernel,
        out_type=jax.ShapeDtypeStruct((nbatch * k, d), x2d.dtype),
        mesh=mesh,
        scratch_types=(
            [pltpu.VMEM((max_pc * g,), jnp.int32)]
            + [pltpu.VMEM((g, d), x2d.dtype) for _ in range(_NBUF)]
            + [pltpu.SemaphoreType.DMA for _ in range(2 * _NBUF)]
        ),
    )
    def gather_kernel(x_hbm, i_hbm, o_hbm, idx_v, *bufs_and_sems):
        rows = list(bufs_and_sems[:_NBUF])
        sem_g = list(bufs_and_sems[_NBUF:2 * _NBUF])
        sem_s = list(bufs_and_sems[2 * _NBUF:])

        wid = lax.axis_index("s") * _NC + lax.axis_index("c")
        batch = wid // lanes
        lane = wid % lanes
        has_extra = lane < rem
        pos_base = (lane * pc + jnp.minimum(lane, rem)) * g
        row_base = batch * k + pos_base

        pltpu.sync_copy(i_hbm.at[pl.ds(pos_base, pc * g)],
                        idx_v.at[pl.ds(0, pc * g)])

        @pl.when(has_extra)
        def _():
            pltpu.sync_copy(i_hbm.at[pl.ds(pos_base + pc * g, g)],
                            idx_v.at[pl.ds(pc * g, g)])

        x_batch = x_hbm.at[pl.ds(batch * n, n)]

        def valid(c):
            return (c < pc) | ((c < max_pc) & has_extra)

        def gather_copy(c, b):
            return pltpu.make_async_copy(
                x_batch.at[idx_v.at[pl.ds(c * g, g)]], rows[b], sem_g[b])

        def store_copy(c, b):
            return pltpu.make_async_copy(
                rows[b], o_hbm.at[pl.ds(row_base + c * g, g)], sem_s[b])

        for b in range(_DEPTH):
            gather_copy(b, b).start()

        @pl.loop(0, max_pc, step=_NBUF)
        def _(outer):
            for kk in range(_NBUF):
                j = outer + kk
                bk = kk
                b_ahead = (kk + _DEPTH) % _NBUF

                @pl.when((j >= _DEPTH) & valid(j - _DEPTH))
                def _(j=j, b=b_ahead):
                    store_copy(j - _DEPTH, b).wait()

                @pl.when(valid(j + _DEPTH))
                def _(j=j, b=b_ahead):
                    gather_copy(j + _DEPTH, b).start()

                @pl.when(valid(j))
                def _(j=j, b=bk):
                    gather_copy(j, b).wait()
                    store_copy(j, b).start()

        covered = -(-max_pc // _NBUF) * _NBUF
        for c in range(covered - _DEPTH, max_pc):
            @pl.when(valid(c))
            def _(c=c):
                store_copy(c, c % _NBUF).wait()

    return gather_kernel(x2d, indices)


def kernel(x, indices):
    b, n, d = x.shape
    out = _gather_rows_sc(x.reshape(b * n, d), indices, b, n)
    return out.reshape(b, indices.shape[0], d)

# --- scband reference (transcript-rebuilt; emitter-appended) ---
"""Pipeline reference for scband-on-boundary-34308198760862 (READ-ONLY COPY).

The authoritative reference and input builder live on the scoring server;
editing this copy changes nothing except your own understanding.
"""

import jax, jax.numpy as jnp
import numpy as np


def setup_inputs(seed: int = 0) -> dict:
    key = jax.random.key(seed)
    k1, k2 = jax.random.split(key)
    x = jax.random.normal(k1, (4, 100000, 128), dtype=jnp.float32)
    indices = jnp.sort(jax.random.randint(k2, (10000,), 0, 100000, dtype=jnp.int32))
    return {"x": x, "indices": indices}


def reference(x, indices):
    # torch.index_select(x, -2, indices) -> gather rows along dim -2
    return jnp.take(x, indices, axis=-2)

if __name__ == "__main__":
    import jax
    _d = setup_inputs()
    print(jax.jit(kernel)(*tuple(_d.values())))

</pallas_src>

<mosaic_0001>
#map = affine_map<(d0, d1) -> (0, 0)>
#map1 = affine_map<(d0, d1) -> (0)>
module attributes {stable_mosaic.version = 14 : i64} {
  func.func @gather_kernel(%arg0: i32, %arg1: i32, %arg2: memref<400000x128xf32, #tpu.memory_space<hbm>>, %arg3: memref<10000xi32, #tpu.memory_space<hbm>>, %arg4: memref<40000x128xf32, #tpu.memory_space<hbm>>, %arg5: memref<1280xi32, #tpu.memory_space<vmem>>, %arg6: memref<80x128xf32, #tpu.memory_space<vmem>>, %arg7: memref<80x128xf32, #tpu.memory_space<vmem>>, %arg8: memref<80x128xf32, #tpu.memory_space<vmem>>, %arg9: memref<80x128xf32, #tpu.memory_space<vmem>>, %arg10: memref<80x128xf32, #tpu.memory_space<vmem>>, %arg11: memref<80x128xf32, #tpu.memory_space<vmem>>, %arg12: memref<80x128xf32, #tpu.memory_space<vmem>>, %arg13: memref<80x128xf32, #tpu.memory_space<vmem>>, %arg14: memref<80x128xf32, #tpu.memory_space<vmem>>, %arg15: memref<80x128xf32, #tpu.memory_space<vmem>>, %arg16: memref<80x128xf32, #tpu.memory_space<vmem>>, %arg17: memref<80x128xf32, #tpu.memory_space<vmem>>, %arg18: memref<!tpu.dma_semaphore, #tpu.memory_space<semaphore_mem>>, %arg19: memref<!tpu.dma_semaphore, #tpu.memory_space<semaphore_mem>>, %arg20: memref<!tpu.dma_semaphore, #tpu.memory_space<semaphore_mem>>, %arg21: memref<!tpu.dma_semaphore, #tpu.memory_space<semaphore_mem>>, %arg22: memref<!tpu.dma_semaphore, #tpu.memory_space<semaphore_mem>>, %arg23: memref<!tpu.dma_semaphore, #tpu.memory_space<semaphore_mem>>, %arg24: memref<!tpu.dma_semaphore, #tpu.memory_space<semaphore_mem>>, %arg25: memref<!tpu.dma_semaphore, #tpu.memory_space<semaphore_mem>>, %arg26: memref<!tpu.dma_semaphore, #tpu.memory_space<semaphore_mem>>, %arg27: memref<!tpu.dma_semaphore, #tpu.memory_space<semaphore_mem>>, %arg28: memref<!tpu.dma_semaphore, #tpu.memory_space<semaphore_mem>>, %arg29: memref<!tpu.dma_semaphore, #tpu.memory_space<semaphore_mem>>, %arg30: memref<!tpu.dma_semaphore, #tpu.memory_space<semaphore_mem>>, %arg31: memref<!tpu.dma_semaphore, #tpu.memory_space<semaphore_mem>>, %arg32: memref<!tpu.dma_semaphore, #tpu.memory_space<semaphore_mem>>, %arg33: memref<!tpu.dma_semaphore, #tpu.memory_space<semaphore_mem>>, %arg34: memref<!tpu.dma_semaphore, #tpu.memory_space<semaphore_mem>>, %arg35: memref<!tpu.dma_semaphore, #tpu.memory_space<semaphore_mem>>, %arg36: memref<!tpu.dma_semaphore, #tpu.memory_space<semaphore_mem>>, %arg37: memref<!tpu.dma_semaphore, #tpu.memory_space<semaphore_mem>>, %arg38: memref<!tpu.dma_semaphore, #tpu.memory_space<semaphore_mem>>, %arg39: memref<!tpu.dma_semaphore, #tpu.memory_space<semaphore_mem>>, %arg40: memref<!tpu.dma_semaphore, #tpu.memory_space<semaphore_mem>>, %arg41: memref<!tpu.dma_semaphore, #tpu.memory_space<semaphore_mem>>) attributes {dimension_semantics = [#tpu.dimension_semantics<core_parallel>, #tpu.dimension_semantics<subcore_parallel>], iteration_bounds = array<i64: 2, 16>, scalar_prefetch = 0 : i64, scratch_operands = 37 : i64, tpu.core_type = #tpu.core_type<sc_vector_subcore>, window_params = [{transform_indices = #map}, {transform_indices = #map1}, {transform_indices = #map}]} {
    %mul3A = arith.constant 2 : i32
    %mul3A_0 = arith.muli %arg1, %mul3A : i32
    %add3A = arith.addi %mul3A_0, %arg0 : i32
    %jit3A = arith.constant 8 : i32
    %div3A = arith.divsi %add3A, %jit3A : i32
    %sign3A = arith.constant 0 : i32
    %sign3A_1 = arith.cmpi sgt, %add3A, %sign3A : i32
    %sign3A_2 = arith.extui %sign3A_1 : i1 to i32
    %sign3A_3 = arith.constant 0 : i32
    %sign3A_4 = arith.cmpi slt, %add3A, %sign3A_3 : i32
    %sign3A_5 = arith.extui %sign3A_4 : i1 to i32
    %sign3A_6 = arith.subi %sign3A_2, %sign3A_5 : i32
    %sign3A_7 = arith.constant 0 : i32
    %sign3A_8 = arith.cmpi sgt, %jit3A, %sign3A_7 : i32
    %sign3A_9 = arith.extui %sign3A_8 : i1 to i32
    %sign3A_10 = arith.constant 0 : i32
    %sign3A_11 = arith.cmpi slt, %jit3A, %sign3A_10 : i32
    %sign3A_12 = arith.extui %sign3A_11 : i1 to i32
    %sign3A_13 = arith.subi %sign3A_9, %sign3A_12 : i32
    %ne3A = arith.cmpi ne, %sign3A_6, %sign3A_13 : i32
    %rem3A = arith.remsi %add3A, %jit3A : i32
    %ne3A_14 = arith.constant 0 : i32
    %ne3A_15 = arith.cmpi ne, %rem3A, %ne3A_14 : i32
    %and3A = arith.andi %ne3A, %ne3A_15 : i1
    %sub3A = arith.constant 1 : i32
    %sub3A_16 = arith.subi %div3A, %sub3A : i32
    %select_n3A = arith.select %and3A, %sub3A_16, %div3A : i32
    %jit3A_17 = arith.constant 8 : i32
    %eq3A = arith.constant 0 : i32
    %eq3A_18 = arith.cmpi eq, %jit3A_17, %eq3A : i32
    %jit3A_19 = arith.constant 1 : i32
    %select_n3A_20 = arith.select %eq3A_18, %jit3A_19, %jit3A_17 : i32
    %rem3A_21 = arith.remsi %add3A, %select_n3A_20 : i32
    %ne3A_22 = arith.constant 0 : i32
    %ne3A_23 = arith.cmpi ne, %rem3A_21, %ne3A_22 : i32
    %lt3A = arith.constant 0 : i32
    %lt3A_24 = arith.cmpi slt, %rem3A_21, %lt3A : i32
    %lt3A_25 = arith.constant 0 : i32
    %lt3A_26 = arith.cmpi slt, %select_n3A_20, %lt3A_25 : i32
    %ne3A_27 = arith.xori %lt3A_24, %lt3A_26 : i1
    %and3A_28 = arith.andi %ne3A_27, %ne3A_23 : i1
    %add3A_29 = arith.addi %rem3A_21, %select_n3A_20 : i32
    %select_n3A_30 = arith.select %and3A_28, %add3A_29, %rem3A_21 : i32
    %lt3A_31 = arith.constant 5 : i32
    %lt3A_32 = arith.cmpi slt, %select_n3A_30, %lt3A_31 : i32
    %mul3A_33 = arith.constant 15 : i32
    %mul3A_34 = arith.muli %select_n3A_30, %mul3A_33 : i32
    %min3A = arith.constant 5 : i32
    %min3A_35 = arith.minsi %select_n3A_30, %min3A : i32
    %add3A_36 = arith.addi %mul3A_34, %min3A_35 : i32
    %mul3A_37 = arith.constant 80 : i32
    %mul3A_38 = arith.muli %add3A_36, %mul3A_37 : i32
    %mul3A_39 = arith.constant 10000 : i32
    %mul3A_40 = arith.muli %select_n3A, %mul3A_39 : i32
    %add3A_41 = arith.addi %mul3A_40, %mul3A_38 : i32
    "tpu.region"() ({
      %run_scoped3A = tpu.sem_alloc : memref<!tpu.dma_semaphore, #tpu.memory_space<semaphore_mem>>
      %dma_start3A_90 = arith.constant 0 : i32
      %dma_start3A_91 = tpu.memref_slice %arg5[%dma_start3A_90] : memref<1280xi32, #tpu.memory_space<vmem>> -> memref<1200xi32, #tpu.memory_space<vmem>>
      %dma_start3A_92 = tpu.memref_slice %arg3[%mul3A_38] : memref<10000xi32, #tpu.memory_space<hbm>> -> memref<1200xi32, #tpu.memory_space<hbm>>
      %dma_start3A_93 = arith.constant 0 : i32
      %dma_start3A_94 = tpu.memref_slice %arg5[%dma_start3A_93] : memref<1280xi32, #tpu.memory_space<vmem>> -> memref<1200xi32, #tpu.memory_space<vmem>>
      %dma_start3A_95 = tpu.memref_slice %arg3[%mul3A_38] : memref<10000xi32, #tpu.memory_space<hbm>> -> memref<1200xi32, #tpu.memory_space<hbm>>
      tpu.enqueue_dma source(%dma_start3A_95 : memref<1200xi32, #tpu.memory_space<hbm>>) target(%dma_start3A_94 : memref<1200xi32, #tpu.memory_space<vmem>>) target_semaphore(%run_scoped3A : memref<!tpu.dma_semaphore, #tpu.memory_space<semaphore_mem>>)
      %dma_wait3A = arith.constant 0 : i32
      %dma_wait3A_96 = tpu.memref_slice %arg5[%dma_wait3A] : memref<1280xi32, #tpu.memory_space<vmem>> -> memref<1200xi32, #tpu.memory_space<vmem>>
      %dma_wait3A_97 = tpu.memref_slice %arg3[%mul3A_38] : memref<10000xi32, #tpu.memory_space<hbm>> -> memref<1200xi32, #tpu.memory_space<hbm>>
      %dma_wait3A_98 = arith.constant 0 : i32
      %dma_wait3A_99 = tpu.memref_slice %arg5[%dma_wait3A_98] : memref<1280xi32, #tpu.memory_space<vmem>> -> memref<1200xi32, #tpu.memory_space<vmem>>
      %dma_wait3A_100 = tpu.memref_slice %arg3[%mul3A_38] : memref<10000xi32, #tpu.memory_space<hbm>> -> memref<1200xi32, #tpu.memory_space<hbm>>
      tpu.wait_dma2 semaphore(%run_scoped3A : memref<!tpu.dma_semaphore, #tpu.memory_space<semaphore_mem>>) src(%dma_wait3A_100 : memref<1200xi32, #tpu.memory_space<hbm>>) dst(%dma_wait3A_99 : memref<1200xi32, #tpu.memory_space<vmem>>)
      tpu.yield
    }) : () -> ()
    %convert_element_type3A = arith.extui %lt3A_32 : i1 to i32
    %cond3A = arith.constant 0 : i32
    %cond3A_42 = arith.cmpi ne, %convert_element_type3A, %cond3A : i32
    scf.if %cond3A_42 {
      %add3A_90 = arith.constant 1200 : i32
      %add3A_91 = arith.addi %mul3A_38, %add3A_90 : i32
      "tpu.region"() ({
        %run_scoped3A = tpu.sem_alloc : memref<!tpu.dma_semaphore, #tpu.memory_space<semaphore_mem>>
        %dma_start3A_92 = arith.constant 1200 : i32
        %dma_start3A_93 = tpu.memref_slice %arg5[%dma_start3A_92] : memref<1280xi32, #tpu.memory_space<vmem>> -> memref<80xi32, #tpu.memory_space<vmem>>
        %dma_start3A_94 = tpu.memref_slice %arg3[%add3A_91] : memref<10000xi32, #tpu.memory_space<hbm>> -> memref<80xi32, #tpu.memory_space<hbm>>
        %dma_start3A_95 = arith.constant 1200 : i32
        %dma_start3A_96 = tpu.memref_slice %arg5[%dma_start3A_95] : memref<1280xi32, #tpu.memory_space<vmem>> -> memref<80xi32, #tpu.memory_space<vmem>>
        %dma_start3A_97 = tpu.memref_slice %arg3[%add3A_91] : memref<10000xi32, #tpu.memory_space<hbm>> -> memref<80xi32, #tpu.memory_space<hbm>>
        tpu.enqueue_dma source(%dma_start3A_97 : memref<80xi32, #tpu.memory_space<hbm>>) target(%dma_start3A_96 : memref<80xi32, #tpu.memory_space<vmem>>) target_semaphore(%run_scoped3A : memref<!tpu.dma_semaphore, #tpu.memory_space<semaphore_mem>>)
        %dma_wait3A = arith.constant 1200 : i32
        %dma_wait3A_98 = tpu.memref_slice %arg5[%dma_wait3A] : memref<1280xi32, #tpu.memory_space<vmem>> -> memref<80xi32, #tpu.memory_space<vmem>>
        %dma_wait3A_99 = tpu.memref_slice %arg3[%add3A_91] : memref<10000xi32, #tpu.memory_space<hbm>> -> memref<80xi32, #tpu.memory_space<hbm>>
        %dma_wait3A_100 = arith.constant 1200 : i32
        %dma_wait3A_101 = tpu.memref_slice %arg5[%dma_wait3A_100] : memref<1280xi32, #tpu.memory_space<vmem>> -> memref<80xi32, #tpu.memory_space<vmem>>
        %dma_wait3A_102 = tpu.memref_slice %arg3[%add3A_91] : memref<10000xi32, #tpu.memory_space<hbm>> -> memref<80xi32, #tpu.memory_space<hbm>>
        tpu.wait_dma2 semaphore(%run_scoped3A : memref<!tpu.dma_semaphore, #tpu.memory_space<semaphore_mem>>) src(%dma_wait3A_102 : memref<80xi32, #tpu.memory_space<hbm>>) dst(%dma_wait3A_101 : memref<80xi32, #tpu.memory_space<vmem>>)
        tpu.yield
      }) : () -> ()
    } else {
    }
    %mul3A_43 = arith.constant 100000 : i32
    %mul3A_44 = arith.muli %select_n3A, %mul3A_43 : i32
    %dma_start3A = arith.constant 0 : i32
    %dma_start3A_45 = tpu.memref_slice %arg5[%dma_start3A] : memref<1280xi32, #tpu.memory_space<vmem>> -> memref<80xi32, #tpu.memory_space<vmem>>
    %dma_start3A_46 = arith.constant 0 : i32
    %dma_start3A_47 = tpu.memref_slice %arg2[%mul3A_44, %dma_start3A_46] : memref<400000x128xf32, #tpu.memory_space<hbm>> -> memref<100000x128xf32, #tpu.memory_space<hbm>>
    %dma_start3A_48 = arith.constant 0 : i32
    %dma_start3A_49 = arith.constant 0 : i32
    %dma_start3A_50 = tpu.memref_slice %dma_start3A_47[%dma_start3A_48, %dma_start3A_49] : memref<100000x128xf32, #tpu.memory_space<hbm>> -> memref<100000x128xf32, #tpu.memory_space<hbm>>
    tpu.enqueue_indirect_dma source(%dma_start3A_50 : memref<100000x128xf32, #tpu.memory_space<hbm>>) target(%arg6 : memref<80x128xf32, #tpu.memory_space<vmem>>) offsets(%dma_start3A_45 : memref<80xi32, #tpu.memory_space<vmem>>) semaphore(%arg18 : memref<!tpu.dma_semaphore, #tpu.memory_space<semaphore_mem>>)
    %dma_start3A_51 = arith.constant 80 : i32
    %dma_start3A_52 = tpu.memref_slice %arg5[%dma_start3A_51] : memref<1280xi32, #tpu.memory_space<vmem>> -> memref<80xi32, #tpu.memory_space<vmem>>
    %dma_start3A_53 = arith.constant 0 : i32
    %dma_start3A_54 = tpu.memref_slice %arg2[%mul3A_44, %dma_start3A_53] : memref<400000x128xf32, #tpu.memory_space<hbm>> -> memref<100000x128xf32, #tpu.memory_space<hbm>>
    %dma_start3A_55 = arith.constant 0 : i32
    %dma_start3A_56 = arith.constant 0 : i32
    %dma_start3A_57 = tpu.memref_slice %dma_start3A_54[%dma_start3A_55, %dma_start3A_56] : memref<100000x128xf32, #tpu.memory_space<hbm>> -> memref<100000x128xf32, #tpu.memory_space<hbm>>
    tpu.enqueue_indirect_dma source(%dma_start3A_57 : memref<100000x128xf32, #tpu.memory_space<hbm>>) target(%arg7 : memref<80x128xf32, #tpu.memory_space<vmem>>) offsets(%dma_start3A_52 : memref<80xi32, #tpu.memory_space<vmem>>) semaphore(%arg19 : memref<!tpu.dma_semaphore, #tpu.memory_space<semaphore_mem>>)
    %dma_start3A_58 = arith.constant 160 : i32
    %dma_start3A_59 = tpu.memref_slice %arg5[%dma_start3A_58] : memref<1280xi32, #tpu.memory_space<vmem>> -> memref<80xi32, #tpu.memory_space<vmem>>
    %dma_start3A_60 = arith.constant 0 : i32
    %dma_start3A_61 = tpu.memref_slice %arg2[%mul3A_44, %dma_start3A_60] : memref<400000x128xf32, #tpu.memory_space<hbm>> -> memref<100000x128xf32, #tpu.memory_space<hbm>>
    %dma_start3A_62 = arith.constant 0 : i32
    %dma_start3A_63 = arith.constant 0 : i32
    %dma_start3A_64 = tpu.memref_slice %dma_start3A_61[%dma_start3A_62, %dma_start3A_63] : memref<100000x128xf32, #tpu.memory_space<hbm>> -> memref<100000x128xf32, #tpu.memory_space<hbm>>
    tpu.enqueue_indirect_dma source(%dma_start3A_64 : memref<100000x128xf32, #tpu.memory_space<hbm>>) target(%arg8 : memref<80x128xf32, #tpu.memory_space<vmem>>) offsets(%dma_start3A_59 : memref<80xi32, #tpu.memory_space<vmem>>) semaphore(%arg20 : memref<!tpu.dma_semaphore, #tpu.memory_space<semaphore_mem>>)
    %dma_start3A_65 = arith.constant 240 : i32
    %dma_start3A_66 = tpu.memref_slice %arg5[%dma_start3A_65] : memref<1280xi32, #tpu.memory_space<vmem>> -> memref<80xi32, #tpu.memory_space<vmem>>
    %dma_start3A_67 = arith.constant 0 : i32
    %dma_start3A_68 = tpu.memref_slice %arg2[%mul3A_44, %dma_start3A_67] : memref<400000x128xf32, #tpu.memory_space<hbm>> -> memref<100000x128xf32, #tpu.memory_space<hbm>>
    %dma_start3A_69 = arith.constant 0 : i32
    %dma_start3A_70 = arith.constant 0 : i32
    %dma_start3A_71 = tpu.memref_slice %dma_start3A_68[%dma_start3A_69, %dma_start3A_70] : memref<100000x128xf32, #tpu.memory_space<hbm>> -> memref<100000x128xf32, #tpu.memory_space<hbm>>
    tpu.enqueue_indirect_dma source(%dma_start3A_71 : memref<100000x128xf32, #tpu.memory_space<hbm>>) target(%arg9 : memref<80x128xf32, #tpu.memory_space<vmem>>) offsets(%dma_start3A_66 : memref<80xi32, #tpu.memory_space<vmem>>) semaphore(%arg21 : memref<!tpu.dma_semaphore, #tpu.memory_space<semaphore_mem>>)
    %dma_start3A_72 = arith.constant 320 : i32
    %dma_start3A_73 = tpu.memref_slice %arg5[%dma_start3A_72] : memref<1280xi32, #tpu.memory_space<vmem>> -> memref<80xi32, #tpu.memory_space<vmem>>
    %dma_start3A_74 = arith.constant 0 : i32
    %dma_start3A_75 = tpu.memref_slice %arg2[%mul3A_44, %dma_start3A_74] : memref<400000x128xf32, #tpu.memory_space<hbm>> -> memref<100000x128xf32, #tpu.memory_space<hbm>>
    %dma_start3A_76 = arith.constant 0 : i32
    %dma_start3A_77 = arith.constant 0 : i32
    %dma_start3A_78 = tpu.memref_slice %dma_start3A_75[%dma_start3A_76, %dma_start3A_77] : memref<100000x128xf32, #tpu.memory_space<hbm>> -> memref<100000x128xf32, #tpu.memory_space<hbm>>
    tpu.enqueue_indirect_dma source(%dma_start3A_78 : memref<100000x128xf32, #tpu.memory_space<hbm>>) target(%arg10 : memref<80x128xf32, #tpu.memory_space<vmem>>) offsets(%dma_start3A_73 : memref<80xi32, #tpu.memory_space<vmem>>) semaphore(%arg22 : memref<!tpu.dma_semaphore, #tpu.memory_space<semaphore_mem>>)
    %dma_start3A_79 = arith.constant 400 : i32
    %dma_start3A_80 = tpu.memref_slice %arg5[%dma_start3A_79] : memref<1280xi32, #tpu.memory_space<vmem>> -> memref<80xi32, #tpu.memory_space<vmem>>
    %dma_start3A_81 = arith.constant 0 : i32
    %dma_start3A_82 = tpu.memref_slice %arg2[%mul3A_44, %dma_start3A_81] : memref<400000x128xf32, #tpu.memory_space<hbm>> -> memref<100000x128xf32, #tpu.memory_space<hbm>>
    %dma_start3A_83 = arith.constant 0 : i32
    %dma_start3A_84 = arith.constant 0 : i32
    %dma_start3A_85 = tpu.memref_slice %dma_start3A_82[%dma_start3A_83, %dma_start3A_84] : memref<100000x128xf32, #tpu.memory_space<hbm>> -> memref<100000x128xf32, #tpu.memory_space<hbm>>
    tpu.enqueue_indirect_dma source(%dma_start3A_85 : memref<100000x128xf32, #tpu.memory_space<hbm>>) target(%arg11 : memref<80x128xf32, #tpu.memory_space<vmem>>) offsets(%dma_start3A_80 : memref<80xi32, #tpu.memory_space<vmem>>) semaphore(%arg23 : memref<!tpu.dma_semaphore, #tpu.memory_space<semaphore_mem>>)
    %scan3A = arith.constant 0 : i32
    %scan3A_86 = arith.constant 2 : i32
    %scan3A_87 = arith.addi %scan3A, %scan3A_86 : i32
    %scan3A_88 = arith.constant 1 : i32
    scf.for %scan3A_90 = %scan3A to %scan3A_87 step %scan3A_88  : i32 {
      %mul3A_91 = arith.constant 12 : i32
      %mul3A_92 = arith.muli %scan3A_90, %mul3A_91 : i32
      %add3A_93 = arith.constant 0 : i32
      %add3A_94 = arith.addi %add3A_93, %mul3A_92 : i32
      %add3A_95 = arith.constant 0 : i32
      %add3A_96 = arith.addi %add3A_94, %add3A_95 : i32
      %ge3A = arith.constant 6 : i32
      %ge3A_97 = arith.cmpi sge, %add3A_96, %ge3A : i32
      %sub3A_98 = arith.constant 6 : i32
      %sub3A_99 = arith.subi %add3A_96, %sub3A_98 : i32
      %lt3A_100 = arith.constant 15 : i32
      %lt3A_101 = arith.cmpi slt, %sub3A_99, %lt3A_100 : i32
      %lt3A_102 = arith.constant 16 : i32
      %lt3A_103 = arith.cmpi slt, %sub3A_99, %lt3A_102 : i32
      %and3A_104 = arith.andi %lt3A_103, %lt3A_32 : i1
      %or3A = arith.ori %lt3A_101, %and3A_104 : i1
      %and3A_105 = arith.andi %ge3A_97, %or3A : i1
      %convert_element_type3A_106 = arith.extui %and3A_105 : i1 to i32
      %cond3A_107 = arith.constant 0 : i32
      %cond3A_108 = arith.cmpi ne, %convert_element_type3A_106, %cond3A_107 : i32
      scf.if %cond3A_108 {
        %sub3A_525 = arith.constant 6 : i32
        %sub3A_526 = arith.subi %add3A_96, %sub3A_525 : i32
        %mul3A_527 = arith.constant 80 : i32
        %mul3A_528 = arith.muli %sub3A_526, %mul3A_527 : i32
        %add3A_529 = arith.addi %add3A_41, %mul3A_528 : i32
        %dma_wait3A = arith.constant 0 : i32
        %dma_wait3A_530 = tpu.memref_slice %arg4[%add3A_529, %dma_wait3A] : memref<40000x128xf32, #tpu.memory_space<hbm>> -> memref<80x128xf32, #tpu.memory_space<hbm>>
        %dma_wait3A_531 = arith.constant 0 : i32
        %dma_wait3A_532 = tpu.memref_slice %arg4[%add3A_529, %dma_wait3A_531] : memref<40000x128xf32, #tpu.memory_space<hbm>> -> memref<80x128xf32, #tpu.memory_space<hbm>>
        tpu.wait_dma2 semaphore(%arg36 : memref<!tpu.dma_semaphore, #tpu.memory_space<semaphore_mem>>) src(%arg12 : memref<80x128xf32, #tpu.memory_space<vmem>>) dst(%dma_wait3A_532 : memref<80x128xf32, #tpu.memory_space<hbm>>)
      } else {
      }
      %add3A_109 = arith.constant 6 : i32
      %add3A_110 = arith.addi %add3A_96, %add3A_109 : i32
      %lt3A_111 = arith.constant 15 : i32
      %lt3A_112 = arith.cmpi slt, %add3A_110, %lt3A_111 : i32
      %lt3A_113 = arith.constant 16 : i32
      %lt3A_114 = arith.cmpi slt, %add3A_110, %lt3A_113 : i32
      %and3A_115 = arith.andi %lt3A_114, %lt3A_32 : i1
      %or3A_116 = arith.ori %lt3A_112, %and3A_115 : i1
      %convert_element_type3A_117 = arith.extui %or3A_116 : i1 to i32
      %cond3A_118 = arith.constant 0 : i32
      %cond3A_119 = arith.cmpi ne, %convert_element_type3A_117, %cond3A_118 : i32
      scf.if %cond3A_119 {
        %add3A_525 = arith.constant 6 : i32
        %add3A_526 = arith.addi %add3A_96, %add3A_525 : i32
        %mul3A_527 = arith.constant 80 : i32
        %mul3A_528 = arith.muli %add3A_526, %mul3A_527 : i32
        %dma_start3A_529 = tpu.memref_slice %arg5[%mul3A_528] : memref<1280xi32, #tpu.memory_space<vmem>> -> memref<80xi32, #tpu.memory_space<vmem>>
        %dma_start3A_530 = arith.constant 0 : i32
        %dma_start3A_531 = tpu.memref_slice %arg2[%mul3A_44, %dma_start3A_530] : memref<400000x128xf32, #tpu.memory_space<hbm>> -> memref<100000x128xf32, #tpu.memory_space<hbm>>
        %dma_start3A_532 = arith.constant 0 : i32
        %dma_start3A_533 = arith.constant 0 : i32
        %dma_start3A_534 = tpu.memref_slice %dma_start3A_531[%dma_start3A_532, %dma_start3A_533] : memref<100000x128xf32, #tpu.memory_space<hbm>> -> memref<100000x128xf32, #tpu.memory_space<hbm>>
        tpu.enqueue_indirect_dma source(%dma_start3A_534 : memref<100000x128xf32, #tpu.memory_space<hbm>>) target(%arg12 : memref<80x128xf32, #tpu.memory_space<vmem>>) offsets(%dma_start3A_529 : memref<80xi32, #tpu.memory_space<vmem>>) semaphore(%arg24 : memref<!tpu.dma_semaphore, #tpu.memory_space<semaphore_mem>>)
      } else {
      }
      %lt3A_120 = arith.constant 15 : i32
      %lt3A_121 = arith.cmpi slt, %add3A_96, %lt3A_120 : i32
      %lt3A_122 = arith.constant 16 : i32
      %lt3A_123 = arith.cmpi slt, %add3A_96, %lt3A_122 : i32
      %and3A_124 = arith.andi %lt3A_123, %lt3A_32 : i1
      %or3A_125 = arith.ori %lt3A_121, %and3A_124 : i1
      %convert_element_type3A_126 = arith.extui %or3A_125 : i1 to i32
      %cond3A_127 = arith.constant 0 : i32
      %cond3A_128 = arith.cmpi ne, %convert_element_type3A_126, %cond3A_127 : i32
      scf.if %cond3A_128 {
        %mul3A_525 = arith.constant 80 : i32
        %mul3A_526 = arith.muli %add3A_96, %mul3A_525 : i32
        %dma_wait3A = tpu.memref_slice %arg5[%mul3A_526] : memref<1280xi32, #tpu.memory_space<vmem>> -> memref<80xi32, #tpu.memory_space<vmem>>
        %dma_wait3A_527 = arith.constant 0 : i32
        %dma_wait3A_528 = tpu.memref_slice %arg2[%mul3A_44, %dma_wait3A_527] : memref<400000x128xf32, #tpu.memory_space<hbm>> -> memref<100000x128xf32, #tpu.memory_space<hbm>>
        %dma_wait3A_529 = arith.constant 0 : i32
        %dma_wait3A_530 = arith.constant 0 : i32
        %dma_wait3A_531 = tpu.memref_slice %dma_wait3A_528[%dma_wait3A_529, %dma_wait3A_530] : memref<100000x128xf32, #tpu.memory_space<hbm>> -> memref<100000x128xf32, #tpu.memory_space<hbm>>
        tpu.wait_indirect_dma semaphore(%arg18 : memref<!tpu.dma_semaphore, #tpu.memory_space<semaphore_mem>>) src(%dma_wait3A_531 : memref<100000x128xf32, #tpu.memory_space<hbm>>) dst(%arg6 : memref<80x128xf32, #tpu.memory_space<vmem>>)
        %mul3A_532 = arith.constant 80 : i32
        %mul3A_533 = arith.muli %add3A_96, %mul3A_532 : i32
        %add3A_534 = arith.addi %add3A_41, %mul3A_533 : i32
        %dma_start3A_535 = arith.constant 0 : i32
        %dma_start3A_536 = tpu.memref_slice %arg4[%add3A_534, %dma_start3A_535] : memref<40000x128xf32, #tpu.memory_space<hbm>> -> memref<80x128xf32, #tpu.memory_space<hbm>>
        %dma_start3A_537 = arith.constant 0 : i32
        %dma_start3A_538 = tpu.memref_slice %arg4[%add3A_534, %dma_start3A_537] : memref<40000x128xf32, #tpu.memory_space<hbm>> -> memref<80x128xf32, #tpu.memory_space<hbm>>
        tpu.enqueue_dma source(%arg6 : memref<80x128xf32, #tpu.memory_space<vmem>>) target(%dma_start3A_538 : memref<80x128xf32, #tpu.memory_space<hbm>>) target_semaphore(%arg30 : memref<!tpu.dma_semaphore, #tpu.memory_space<semaphore_mem>>)
      } else {
      }
      %add3A_129 = arith.constant 1 : i32
      %add3A_130 = arith.addi %add3A_94, %add3A_129 : i32
      %ge3A_131 = arith.constant 6 : i32
      %ge3A_132 = arith.cmpi sge, %add3A_130, %ge3A_131 : i32
      %sub3A_133 = arith.constant 6 : i32
      %sub3A_134 = arith.subi %add3A_130, %sub3A_133 : i32
      %lt3A_135 = arith.constant 15 : i32
      %lt3A_136 = arith.cmpi slt, %sub3A_134, %lt3A_135 : i32
      %lt3A_137 = arith.constant 16 : i32
      %lt3A_138 = arith.cmpi slt, %sub3A_134, %lt3A_137 : i32
      %and3A_139 = arith.andi %lt3A_138, %lt3A_32 : i1
      %or3A_140 = arith.ori %lt3A_136, %and3A_139 : i1
      %and3A_141 = arith.andi %ge3A_132, %or3A_140 : i1
      %convert_element_type3A_142 = arith.extui %and3A_141 : i1 to i32
      %cond3A_143 = arith.constant 0 : i32
      %cond3A_144 = arith.cmpi ne, %convert_element_type3A_142, %cond3A_143 : i32
      scf.if %cond3A_144 {
        %sub3A_525 = arith.constant 6 : i32
        %sub3A_526 = arith.subi %add3A_130, %sub3A_525 : i32
        %mul3A_527 = arith.constant 80 : i32
        %mul3A_528 = arith.muli %sub3A_526, %mul3A_527 : i32
        %add3A_529 = arith.addi %add3A_41, %mul3A_528 : i32
        %dma_wait3A = arith.constant 0 : i32
        %dma_wait3A_530 = tpu.memref_slice %arg4[%add3A_529, %dma_wait3A] : memref<40000x128xf32, #tpu.memory_space<hbm>> -> memref<80x128xf32, #tpu.memory_space<hbm>>
        %dma_wait3A_531 = arith.constant 0 : i32
        %dma_wait3A_532 = tpu.memref_slice %arg4[%add3A_529, %dma_wait3A_531] : memref<40000x128xf32, #tpu.memory_space<hbm>> -> memref<80x128xf32, #tpu.memory_space<hbm>>
        tpu.wait_dma2 semaphore(%arg37 : memref<!tpu.dma_semaphore, #tpu.memory_space<semaphore_mem>>) src(%arg13 : memref<80x128xf32, #tpu.memory_space<vmem>>) dst(%dma_wait3A_532 : memref<80x128xf32, #tpu.memory_space<hbm>>)
      } else {
      }
      %add3A_145 = arith.constant 6 : i32
      %add3A_146 = arith.addi %add3A_130, %add3A_145 : i32
      %lt3A_147 = arith.constant 15 : i32
      %lt3A_148 = arith.cmpi slt, %add3A_146, %lt3A_147 : i32
      %lt3A_149 = arith.constant 16 : i32
      %lt3A_150 = arith.cmpi slt, %add3A_146, %lt3A_149 : i32
      %and3A_151 = arith.andi %lt3A_150, %lt3A_32 : i1
      %or3A_152 = arith.ori %lt3A_148, %and3A_151 : i1
      %convert_element_type3A_153 = arith.extui %or3A_152 : i1 to i32
      %cond3A_154 = arith.constant 0 : i32
      %cond3A_155 = arith.cmpi ne, %convert_element_type3A_153, %cond3A_154 : i32
      scf.if %cond3A_155 {
        %add3A_525 = arith.constant 6 : i32
        %add3A_526 = arith.addi %add3A_130, %add3A_525 : i32
        %mul3A_527 = arith.constant 80 : i32
        %mul3A_528 = arith.muli %add3A_526, %mul3A_527 : i32
        %dma_start3A_529 = tpu.memref_slice %arg5[%mul3A_528] : memref<1280xi32, #tpu.memory_space<vmem>> -> memref<80xi32, #tpu.memory_space<vmem>>
        %dma_start3A_530 = arith.constant 0 : i32
        %dma_start3A_531 = tpu.memref_slice %arg2[%mul3A_44, %dma_start3A_530] : memref<400000x128xf32, #tpu.memory_space<hbm>> -> memref<100000x128xf32, #tpu.memory_space<hbm>>
        %dma_start3A_532 = arith.constant 0 : i32
        %dma_start3A_533 = arith.constant 0 : i32
        %dma_start3A_534 = tpu.memref_slice %dma_start3A_531[%dma_start3A_532, %dma_start3A_533] : memref<100000x128xf32, #tpu.memory_space<hbm>> -> memref<100000x128xf32, #tpu.memory_space<hbm>>
        tpu.enqueue_indirect_dma source(%dma_start3A_534 : memref<100000x128xf32, #tpu.memory_space<hbm>>) target(%arg13 : memref<80x128xf32, #tpu.memory_space<vmem>>) offsets(%dma_start3A_529 : memref<80xi32, #tpu.memory_space<vmem>>) semaphore(%arg25 : memref<!tpu.dma_semaphore, #tpu.memory_space<semaphore_mem>>)
      } else {
      }
      %lt3A_156 = arith.constant 15 : i32
      %lt3A_157 = arith.cmpi slt, %add3A_130, %lt3A_156 : i32
      %lt3A_158 = arith.constant 16 : i32
      %lt3A_159 = arith.cmpi slt, %add3A_130, %lt3A_158 : i32
      %and3A_160 = arith.andi %lt3A_159, %lt3A_32 : i1
      %or3A_161 = arith.ori %lt3A_157, %and3A_160 : i1
      %convert_element_type3A_162 = arith.extui %or3A_161 : i1 to i32
      %cond3A_163 = arith.constant 0 : i32
      %cond3A_164 = arith.cmpi ne, %convert_element_type3A_162, %cond3A_163 : i32
      scf.if %cond3A_164 {
        %mul3A_525 = arith.constant 80 : i32
        %mul3A_526 = arith.muli %add3A_130, %mul3A_525 : i32
        %dma_wait3A = tpu.memref_slice %arg5[%mul3A_526] : memref<1280xi32, #tpu.memory_space<vmem>> -> memref<80xi32, #tpu.memory_space<vmem>>
        %dma_wait3A_527 = arith.constant 0 : i32
        %dma_wait3A_528 = tpu.memref_slice %arg2[%mul3A_44, %dma_wait3A_527] : memref<400000x128xf32, #tpu.memory_space<hbm>> -> memref<100000x128xf32, #tpu.memory_space<hbm>>
        %dma_wait3A_529 = arith.constant 0 : i32
        %dma_wait3A_530 = arith.constant 0 : i32
        %dma_wait3A_531 = tpu.memref_slice %dma_wait3A_528[%dma_wait3A_529, %dma_wait3A_530] : memref<100000x128xf32, #tpu.memory_space<hbm>> -> memref<100000x128xf32, #tpu.memory_space<hbm>>
        tpu.wait_indirect_dma semaphore(%arg19 : memref<!tpu.dma_semaphore, #tpu.memory_space<semaphore_mem>>) src(%dma_wait3A_531 : memref<100000x128xf32, #tpu.memory_space<hbm>>) dst(%arg7 : memref<80x128xf32, #tpu.memory_space<vmem>>)
        %mul3A_532 = arith.constant 80 : i32
        %mul3A_533 = arith.muli %add3A_130, %mul3A_532 : i32
        %add3A_534 = arith.addi %add3A_41, %mul3A_533 : i32
        %dma_start3A_535 = arith.constant 0 : i32
        %dma_start3A_536 = tpu.memref_slice %arg4[%add3A_534, %dma_start3A_535] : memref<40000x128xf32, #tpu.memory_space<hbm>> -> memref<80x128xf32, #tpu.memory_space<hbm>>
        %dma_start3A_537 = arith.constant 0 : i32
        %dma_start3A_538 = tpu.memref_slice %arg4[%add3A_534, %dma_start3A_537] : memref<40000x128xf32, #tpu.memory_space<hbm>> -> memref<80x128xf32, #tpu.memory_space<hbm>>
        tpu.enqueue_dma source(%arg7 : memref<80x128xf32, #tpu.memory_space<vmem>>) target(%dma_start3A_538 : memref<80x128xf32, #tpu.memory_space<hbm>>) target_semaphore(%arg31 : memref<!tpu.dma_semaphore, #tpu.memory_space<semaphore_mem>>)
      } else {
      }
      %add3A_165 = arith.constant 2 : i32
      %add3A_166 = arith.addi %add3A_94, %add3A_165 : i32
      %ge3A_167 = arith.constant 6 : i32
      %ge3A_168 = arith.cmpi sge, %add3A_166, %ge3A_167 : i32
      %sub3A_169 = arith.constant 6 : i32
      %sub3A_170 = arith.subi %add3A_166, %sub3A_169 : i32
      %lt3A_171 = arith.constant 15 : i32
      %lt3A_172 = arith.cmpi slt, %sub3A_170, %lt3A_171 : i32
      %lt3A_173 = arith.constant 16 : i32
      %lt3A_174 = arith.cmpi slt, %sub3A_170, %lt3A_173 : i32
      %and3A_175 = arith.andi %lt3A_174, %lt3A_32 : i1
      %or3A_176 = arith.ori %lt3A_172, %and3A_175 : i1
      %and3A_177 = arith.andi %ge3A_168, %or3A_176 : i1
      %convert_element_type3A_178 = arith.extui %and3A_177 : i1 to i32
      %cond3A_179 = arith.constant 0 : i32
      %cond3A_180 = arith.cmpi ne, %convert_element_type3A_178, %cond3A_179 : i32
      scf.if %cond3A_180 {
        %sub3A_525 = arith.constant 6 : i32
        %sub3A_526 = arith.subi %add3A_166, %sub3A_525 : i32
        %mul3A_527 = arith.constant 80 : i32
        %mul3A_528 = arith.muli %sub3A_526, %mul3A_527 : i32
        %add3A_529 = arith.addi %add3A_41, %mul3A_528 : i32
        %dma_wait3A = arith.constant 0 : i32
        %dma_wait3A_530 = tpu.memref_slice %arg4[%add3A_529, %dma_wait3A] : memref<40000x128xf32, #tpu.memory_space<hbm>> -> memref<80x128xf32, #tpu.memory_space<hbm>>
        %dma_wait3A_531 = arith.constant 0 : i32
        %dma_wait3A_532 = tpu.memref_slice %arg4[%add3A_529, %dma_wait3A_531] : memref<40000x128xf32, #tpu.memory_space<hbm>> -> memref<80x128xf32, #tpu.memory_space<hbm>>
        tpu.wait_dma2 semaphore(%arg38 : memref<!tpu.dma_semaphore, #tpu.memory_space<semaphore_mem>>) src(%arg14 : memref<80x128xf32, #tpu.memory_space<vmem>>) dst(%dma_wait3A_532 : memref<80x128xf32, #tpu.memory_space<hbm>>)
      } else {
      }
      %add3A_181 = arith.constant 6 : i32
      %add3A_182 = arith.addi %add3A_166, %add3A_181 : i32
      %lt3A_183 = arith.constant 15 : i32
      %lt3A_184 = arith.cmpi slt, %add3A_182, %lt3A_183 : i32
      %lt3A_185 = arith.constant 16 : i32
      %lt3A_186 = arith.cmpi slt, %add3A_182, %lt3A_185 : i32
      %and3A_187 = arith.andi %lt3A_186, %lt3A_32 : i1
      %or3A_188 = arith.ori %lt3A_184, %and3A_187 : i1
      %convert_element_type3A_189 = arith.extui %or3A_188 : i1 to i32
      %cond3A_190 = arith.constant 0 : i32
      %cond3A_191 = arith.cmpi ne, %convert_element_type3A_189, %cond3A_190 : i32
      scf.if %cond3A_191 {
        %add3A_525 = arith.constant 6 : i32
        %add3A_526 = arith.addi %add3A_166, %add3A_525 : i32
        %mul3A_527 = arith.constant 80 : i32
        %mul3A_528 = arith.muli %add3A_526, %mul3A_527 : i32
        %dma_start3A_529 = tpu.memref_slice %arg5[%mul3A_528] : memref<1280xi32, #tpu.memory_space<vmem>> -> memref<80xi32, #tpu.memory_space<vmem>>
        %dma_start3A_530 = arith.constant 0 : i32
        %dma_start3A_531 = tpu.memref_slice %arg2[%mul3A_44, %dma_start3A_530] : memref<400000x128xf32, #tpu.memory_space<hbm>> -> memref<100000x128xf32, #tpu.memory_space<hbm>>
        %dma_start3A_532 = arith.constant 0 : i32
        %dma_start3A_533 = arith.constant 0 : i32
        %dma_start3A_534 = tpu.memref_slice %dma_start3A_531[%dma_start3A_532, %dma_start3A_533] : memref<100000x128xf32, #tpu.memory_space<hbm>> -> memref<100000x128xf32, #tpu.memory_space<hbm>>
        tpu.enqueue_indirect_dma source(%dma_start3A_534 : memref<100000x128xf32, #tpu.memory_space<hbm>>) target(%arg14 : memref<80x128xf32, #tpu.memory_space<vmem>>) offsets(%dma_start3A_529 : memref<80xi32, #tpu.memory_space<vmem>>) semaphore(%arg26 : memref<!tpu.dma_semaphore, #tpu.memory_space<semaphore_mem>>)
      } else {
      }
      %lt3A_192 = arith.constant 15 : i32
      %lt3A_193 = arith.cmpi slt, %add3A_166, %lt3A_192 : i32
      %lt3A_194 = arith.constant 16 : i32
      %lt3A_195 = arith.cmpi slt, %add3A_166, %lt3A_194 : i32
      %and3A_196 = arith.andi %lt3A_195, %lt3A_32 : i1
      %or3A_197 = arith.ori %lt3A_193, %and3A_196 : i1
      %convert_element_type3A_198 = arith.extui %or3A_197 : i1 to i32
      %cond3A_199 = arith.constant 0 : i32
      %cond3A_200 = arith.cmpi ne, %convert_element_type3A_198, %cond3A_199 : i32
      scf.if %cond3A_200 {
        %mul3A_525 = arith.constant 80 : i32
        %mul3A_526 = arith.muli %add3A_166, %mul3A_525 : i32
        %dma_wait3A = tpu.memref_slice %arg5[%mul3A_526] : memref<1280xi32, #tpu.memory_space<vmem>> -> memref<80xi32, #tpu.memory_space<vmem>>
        %dma_wait3A_527 = arith.constant 0 : i32
        %dma_wait3A_528 = tpu.memref_slice %arg2[%mul3A_44, %dma_wait3A_527] : memref<400000x128xf32, #tpu.memory_space<hbm>> -> memref<100000x128xf32, #tpu.memory_space<hbm>>
        %dma_wait3A_529 = arith.constant 0 : i32
        %dma_wait3A_530 = arith.constant 0 : i32
        %dma_wait3A_531 = tpu.memref_slice %dma_wait3A_528[%dma_wait3A_529, %dma_wait3A_530] : memref<100000x128xf32, #tpu.memory_space<hbm>> -> memref<100000x128xf32, #tpu.memory_space<hbm>>
        tpu.wait_indirect_dma semaphore(%arg20 : memref<!tpu.dma_semaphore, #tpu.memory_space<semaphore_mem>>) src(%dma_wait3A_531 : memref<100000x128xf32, #tpu.memory_space<hbm>>) dst(%arg8 : memref<80x128xf32, #tpu.memory_space<vmem>>)
        %mul3A_532 = arith.constant 80 : i32
        %mul3A_533 = arith.muli %add3A_166, %mul3A_532 : i32
        %add3A_534 = arith.addi %add3A_41, %mul3A_533 : i32
        %dma_start3A_535 = arith.constant 0 : i32
        %dma_start3A_536 = tpu.memref_slice %arg4[%add3A_534, %dma_start3A_535] : memref<40000x128xf32, #tpu.memory_space<hbm>> -> memref<80x128xf32, #tpu.memory_space<hbm>>
        %dma_start3A_537 = arith.constant 0 : i32
        %dma_start3A_538 = tpu.memref_slice %arg4[%add3A_534, %dma_start3A_537] : memref<40000x128xf32, #tpu.memory_space<hbm>> -> memref<80x128xf32, #tpu.memory_space<hbm>>
        tpu.enqueue_dma source(%arg8 : memref<80x128xf32, #tpu.memory_space<vmem>>) target(%dma_start3A_538 : memref<80x128xf32, #tpu.memory_space<hbm>>) target_semaphore(%arg32 : memref<!tpu.dma_semaphore, #tpu.memory_space<semaphore_mem>>)
      } else {
      }
      %add3A_201 = arith.constant 3 : i32
      %add3A_202 = arith.addi %add3A_94, %add3A_201 : i32
      %ge3A_203 = arith.constant 6 : i32
      %ge3A_204 = arith.cmpi sge, %add3A_202, %ge3A_203 : i32
      %sub3A_205 = arith.constant 6 : i32
      %sub3A_206 = arith.subi %add3A_202, %sub3A_205 : i32
      %lt3A_207 = arith.constant 15 : i32
      %lt3A_208 = arith.cmpi slt, %sub3A_206, %lt3A_207 : i32
      %lt3A_209 = arith.constant 16 : i32
      %lt3A_210 = arith.cmpi slt, %sub3A_206, %lt3A_209 : i32
      %and3A_211 = arith.andi %lt3A_210, %lt3A_32 : i1
      %or3A_212 = arith.ori %lt3A_208, %and3A_211 : i1
      %and3A_213 = arith.andi %ge3A_204, %or3A_212 : i1
      %convert_element_type3A_214 = arith.extui %and3A_213 : i1 to i32
      %cond3A_215 = arith.constant 0 : i32
      %cond3A_216 = arith.cmpi ne, %convert_element_type3A_214, %cond3A_215 : i32
      scf.if %cond3A_216 {
        %sub3A_525 = arith.constant 6 : i32
        %sub3A_526 = arith.subi %add3A_202, %sub3A_525 : i32
        %mul3A_527 = arith.constant 80 : i32
        %mul3A_528 = arith.muli %sub3A_526, %mul3A_527 : i32
        %add3A_529 = arith.addi %add3A_41, %mul3A_528 : i32
        %dma_wait3A = arith.constant 0 : i32
        %dma_wait3A_530 = tpu.memref_slice %arg4[%add3A_529, %dma_wait3A] : memref<40000x128xf32, #tpu.memory_space<hbm>> -> memref<80x128xf32, #tpu.memory_space<hbm>>
        %dma_wait3A_531 = arith.constant 0 : i32
        %dma_wait3A_532 = tpu.memref_slice %arg4[%add3A_529, %dma_wait3A_531] : memref<40000x128xf32, #tpu.memory_space<hbm>> -> memref<80x128xf32, #tpu.memory_space<hbm>>
        tpu.wait_dma2 semaphore(%arg39 : memref<!tpu.dma_semaphore, #tpu.memory_space<semaphore_mem>>) src(%arg15 : memref<80x128xf32, #tpu.memory_space<vmem>>) dst(%dma_wait3A_532 : memref<80x128xf32, #tpu.memory_space<hbm>>)
      } else {
      }
      %add3A_217 = arith.constant 6 : i32
      %add3A_218 = arith.addi %add3A_202, %add3A_217 : i32
      %lt3A_219 = arith.constant 15 : i32
      %lt3A_220 = arith.cmpi slt, %add3A_218, %lt3A_219 : i32
      %lt3A_221 = arith.constant 16 : i32
      %lt3A_222 = arith.cmpi slt, %add3A_218, %lt3A_221 : i32
      %and3A_223 = arith.andi %lt3A_222, %lt3A_32 : i1
      %or3A_224 = arith.ori %lt3A_220, %and3A_223 : i1
      %convert_element_type3A_225 = arith.extui %or3A_224 : i1 to i32
      %cond3A_226 = arith.constant 0 : i32
      %cond3A_227 = arith.cmpi ne, %convert_element_type3A_225, %cond3A_226 : i32
      scf.if %cond3A_227 {
        %add3A_525 = arith.constant 6 : i32
        %add3A_526 = arith.addi %add3A_202, %add3A_525 : i32
        %mul3A_527 = arith.constant 80 : i32
        %mul3A_528 = arith.muli %add3A_526, %mul3A_527 : i32
        %dma_start3A_529 = tpu.memref_slice %arg5[%mul3A_528] : memref<1280xi32, #tpu.memory_space<vmem>> -> memref<80xi32, #tpu.memory_space<vmem>>
        %dma_start3A_530 = arith.constant 0 : i32
        %dma_start3A_531 = tpu.memref_slice %arg2[%mul3A_44, %dma_start3A_530] : memref<400000x128xf32, #tpu.memory_space<hbm>> -> memref<100000x128xf32, #tpu.memory_space<hbm>>
        %dma_start3A_532 = arith.constant 0 : i32
        %dma_start3A_533 = arith.constant 0 : i32
        %dma_start3A_534 = tpu.memref_slice %dma_start3A_531[%dma_start3A_532, %dma_start3A_533] : memref<100000x128xf32, #tpu.memory_space<hbm>> -> memref<100000x128xf32, #tpu.memory_space<hbm>>
        tpu.enqueue_indirect_dma source(%dma_start3A_534 : memref<100000x128xf32, #tpu.memory_space<hbm>>) target(%arg15 : memref<80x128xf32, #tpu.memory_space<vmem>>) offsets(%dma_start3A_529 : memref<80xi32, #tpu.memory_space<vmem>>) semaphore(%arg27 : memref<!tpu.dma_semaphore, #tpu.memory_space<semaphore_mem>>)
      } else {
      }
      %lt3A_228 = arith.constant 15 : i32
      %lt3A_229 = arith.cmpi slt, %add3A_202, %lt3A_228 : i32
      %lt3A_230 = arith.constant 16 : i32
      %lt3A_231 = arith.cmpi slt, %add3A_202, %lt3A_230 : i32
      %and3A_232 = arith.andi %lt3A_231, %lt3A_32 : i1
      %or3A_233 = arith.ori %lt3A_229, %and3A_232 : i1
      %convert_element_type3A_234 = arith.extui %or3A_233 : i1 to i32
      %cond3A_235 = arith.constant 0 : i32
      %cond3A_236 = arith.cmpi ne, %convert_element_type3A_234, %cond3A_235 : i32
      scf.if %cond3A_236 {
        %mul3A_525 = arith.constant 80 : i32
        %mul3A_526 = arith.muli %add3A_202, %mul3A_525 : i32
        %dma_wait3A = tpu.memref_slice %arg5[%mul3A_526] : memref<1280xi32, #tpu.memory_space<vmem>> -> memref<80xi32, #tpu.memory_space<vmem>>
        %dma_wait3A_527 = arith.constant 0 : i32
        %dma_wait3A_528 = tpu.memref_slice %arg2[%mul3A_44, %dma_wait3A_527] : memref<400000x128xf32, #tpu.memory_space<hbm>> -> memref<100000x128xf32, #tpu.memory_space<hbm>>
        %dma_wait3A_529 = arith.constant 0 : i32
        %dma_wait3A_530 = arith.constant 0 : i32
        %dma_wait3A_531 = tpu.memref_slice %dma_wait3A_528[%dma_wait3A_529, %dma_wait3A_530] : memref<100000x128xf32, #tpu.memory_space<hbm>> -> memref<100000x128xf32, #tpu.memory_space<hbm>>
        tpu.wait_indirect_dma semaphore(%arg21 : memref<!tpu.dma_semaphore, #tpu.memory_space<semaphore_mem>>) src(%dma_wait3A_531 : memref<100000x128xf32, #tpu.memory_space<hbm>>) dst(%arg9 : memref<80x128xf32, #tpu.memory_space<vmem>>)
        %mul3A_532 = arith.constant 80 : i32
        %mul3A_533 = arith.muli %add3A_202, %mul3A_532 : i32
        %add3A_534 = arith.addi %add3A_41, %mul3A_533 : i32
        %dma_start3A_535 = arith.constant 0 : i32
        %dma_start3A_536 = tpu.memref_slice %arg4[%add3A_534, %dma_start3A_535] : memref<40000x128xf32, #tpu.memory_space<hbm>> -> memref<80x128xf32, #tpu.memory_space<hbm>>
        %dma_start3A_537 = arith.constant 0 : i32
        %dma_start3A_538 = tpu.memref_slice %arg4[%add3A_534, %dma_start3A_537] : memref<40000x128xf32, #tpu.memory_space<hbm>> -> memref<80x128xf32, #tpu.memory_space<hbm>>
        tpu.enqueue_dma source(%arg9 : memref<80x128xf32, #tpu.memory_space<vmem>>) target(%dma_start3A_538 : memref<80x128xf32, #tpu.memory_space<hbm>>) target_semaphore(%arg33 : memref<!tpu.dma_semaphore, #tpu.memory_space<semaphore_mem>>)
      } else {
      }
      %add3A_237 = arith.constant 4 : i32
      %add3A_238 = arith.addi %add3A_94, %add3A_237 : i32
      %ge3A_239 = arith.constant 6 : i32
      %ge3A_240 = arith.cmpi sge, %add3A_238, %ge3A_239 : i32
      %sub3A_241 = arith.constant 6 : i32
      %sub3A_242 = arith.subi %add3A_238, %sub3A_241 : i32
      %lt3A_243 = arith.constant 15 : i32
      %lt3A_244 = arith.cmpi slt, %sub3A_242, %lt3A_243 : i32
      %lt3A_245 = arith.constant 16 : i32
      %lt3A_246 = arith.cmpi slt, %sub3A_242, %lt3A_245 : i32
      %and3A_247 = arith.andi %lt3A_246, %lt3A_32 : i1
      %or3A_248 = arith.ori %lt3A_244, %and3A_247 : i1
      %and3A_249 = arith.andi %ge3A_240, %or3A_248 : i1
      %convert_element_type3A_250 = arith.extui %and3A_249 : i1 to i32
      %cond3A_251 = arith.constant 0 : i32
      %cond3A_252 = arith.cmpi ne, %convert_element_type3A_250, %cond3A_251 : i32
      scf.if %cond3A_252 {
        %sub3A_525 = arith.constant 6 : i32
        %sub3A_526 = arith.subi %add3A_238, %sub3A_525 : i32
        %mul3A_527 = arith.constant 80 : i32
        %mul3A_528 = arith.muli %sub3A_526, %mul3A_527 : i32
        %add3A_529 = arith.addi %add3A_41, %mul3A_528 : i32
        %dma_wait3A = arith.constant 0 : i32
        %dma_wait3A_530 = tpu.memref_slice %arg4[%add3A_529, %dma_wait3A] : memref<40000x128xf32, #tpu.memory_space<hbm>> -> memref<80x128xf32, #tpu.memory_space<hbm>>
        %dma_wait3A_531 = arith.constant 0 : i32
        %dma_wait3A_532 = tpu.memref_slice %arg4[%add3A_529, %dma_wait3A_531] : memref<40000x128xf32, #tpu.memory_space<hbm>> -> memref<80x128xf32, #tpu.memory_space<hbm>>
        tpu.wait_dma2 semaphore(%arg40 : memref<!tpu.dma_semaphore, #tpu.memory_space<semaphore_mem>>) src(%arg16 : memref<80x128xf32, #tpu.memory_space<vmem>>) dst(%dma_wait3A_532 : memref<80x128xf32, #tpu.memory_space<hbm>>)
      } else {
      }
      %add3A_253 = arith.constant 6 : i32
      %add3A_254 = arith.addi %add3A_238, %add3A_253 : i32
      %lt3A_255 = arith.constant 15 : i32
      %lt3A_256 = arith.cmpi slt, %add3A_254, %lt3A_255 : i32
      %lt3A_257 = arith.constant 16 : i32
      %lt3A_258 = arith.cmpi slt, %add3A_254, %lt3A_257 : i32
      %and3A_259 = arith.andi %lt3A_258, %lt3A_32 : i1
      %or3A_260 = arith.ori %lt3A_256, %and3A_259 : i1
      %convert_element_type3A_261 = arith.extui %or3A_260 : i1 to i32
      %cond3A_262 = arith.constant 0 : i32
      %cond3A_263 = arith.cmpi ne, %convert_element_type3A_261, %cond3A_262 : i32
      scf.if %cond3A_263 {
        %add3A_525 = arith.constant 6 : i32
        %add3A_526 = arith.addi %add3A_238, %add3A_525 : i32
        %mul3A_527 = arith.constant 80 : i32
        %mul3A_528 = arith.muli %add3A_526, %mul3A_527 : i32
        %dma_start3A_529 = tpu.memref_slice %arg5[%mul3A_528] : memref<1280xi32, #tpu.memory_space<vmem>> -> memref<80xi32, #tpu.memory_space<vmem>>
        %dma_start3A_530 = arith.constant 0 : i32
        %dma_start3A_531 = tpu.memref_slice %arg2[%mul3A_44, %dma_start3A_530] : memref<400000x128xf32, #tpu.memory_space<hbm>> -> memref<100000x128xf32, #tpu.memory_space<hbm>>
        %dma_start3A_532 = arith.constant 0 : i32
        %dma_start3A_533 = arith.constant 0 : i32
        %dma_start3A_534 = tpu.memref_slice %dma_start3A_531[%dma_start3A_532, %dma_start3A_533] : memref<100000x128xf32, #tpu.memory_space<hbm>> -> memref<100000x128xf32, #tpu.memory_space<hbm>>
        tpu.enqueue_indirect_dma source(%dma_start3A_534 : memref<100000x128xf32, #tpu.memory_space<hbm>>) target(%arg16 : memref<80x128xf32, #tpu.memory_space<vmem>>) offsets(%dma_start3A_529 : memref<80xi32, #tpu.memory_space<vmem>>) semaphore(%arg28 : memref<!tpu.dma_semaphore, #tpu.memory_space<semaphore_mem>>)
      } else {
      }
      %lt3A_264 = arith.constant 15 : i32
      %lt3A_265 = arith.cmpi slt, %add3A_238, %lt3A_264 : i32
      %lt3A_266 = arith.constant 16 : i32
      %lt3A_267 = arith.cmpi slt, %add3A_238, %lt3A_266 : i32
      %and3A_268 = arith.andi %lt3A_267, %lt3A_32 : i1
      %or3A_269 = arith.ori %lt3A_265, %and3A_268 : i1
      %convert_element_type3A_270 = arith.extui %or3A_269 : i1 to i32
      %cond3A_271 = arith.constant 0 : i32
      %cond3A_272 = arith.cmpi ne, %convert_element_type3A_270, %cond3A_271 : i32
      scf.if %cond3A_272 {
        %mul3A_525 = arith.constant 80 : i32
        %mul3A_526 = arith.muli %add3A_238, %mul3A_525 : i32
        %dma_wait3A = tpu.memref_slice %arg5[%mul3A_526] : memref<1280xi32, #tpu.memory_space<vmem>> -> memref<80xi32, #tpu.memory_space<vmem>>
        %dma_wait3A_527 = arith.constant 0 : i32
        %dma_wait3A_528 = tpu.memref_slice %arg2[%mul3A_44, %dma_wait3A_527] : memref<400000x128xf32, #tpu.memory_space<hbm>> -> memref<100000x128xf32, #tpu.memory_space<hbm>>
        %dma_wait3A_529 = arith.constant 0 : i32
        %dma_wait3A_530 = arith.constant 0 : i32
        %dma_wait3A_531 = tpu.memref_slice %dma_wait3A_528[%dma_wait3A_529, %dma_wait3A_530] : memref<100000x128xf32, #tpu.memory_space<hbm>> -> memref<100000x128xf32, #tpu.memory_space<hbm>>
        tpu.wait_indirect_dma semaphore(%arg22 : memref<!tpu.dma_semaphore, #tpu.memory_space<semaphore_mem>>) src(%dma_wait3A_531 : memref<100000x128xf32, #tpu.memory_space<hbm>>) dst(%arg10 : memref<80x128xf32, #tpu.memory_space<vmem>>)
        %mul3A_532 = arith.constant 80 : i32
        %mul3A_533 = arith.muli %add3A_238, %mul3A_532 : i32
        %add3A_534 = arith.addi %add3A_41, %mul3A_533 : i32
        %dma_start3A_535 = arith.constant 0 : i32
        %dma_start3A_536 = tpu.memref_slice %arg4[%add3A_534, %dma_start3A_535] : memref<40000x128xf32, #tpu.memory_space<hbm>> -> memref<80x128xf32, #tpu.memory_space<hbm>>
        %dma_start3A_537 = arith.constant 0 : i32
        %dma_start3A_538 = tpu.memref_slice %arg4[%add3A_534, %dma_start3A_537] : memref<40000x128xf32, #tpu.memory_space<hbm>> -> memref<80x128xf32, #tpu.memory_space<hbm>>
        tpu.enqueue_dma source(%arg10 : memref<80x128xf32, #tpu.memory_space<vmem>>) target(%dma_start3A_538 : memref<80x128xf32, #tpu.memory_space<hbm>>) target_semaphore(%arg34 : memref<!tpu.dma_semaphore, #tpu.memory_space<semaphore_mem>>)
      } else {
      }
      %add3A_273 = arith.constant 5 : i32
      %add3A_274 = arith.addi %add3A_94, %add3A_273 : i32
      %ge3A_275 = arith.constant 6 : i32
      %ge3A_276 = arith.cmpi sge, %add3A_274, %ge3A_275 : i32
      %sub3A_277 = arith.constant 6 : i32
      %sub3A_278 = arith.subi %add3A_274, %sub3A_277 : i32
      %lt3A_279 = arith.constant 15 : i32
      %lt3A_280 = arith.cmpi slt, %sub3A_278, %lt3A_279 : i32
      %lt3A_281 = arith.constant 16 : i32
      %lt3A_282 = arith.cmpi slt, %sub3A_278, %lt3A_281 : i32
      %and3A_283 = arith.andi %lt3A_282, %lt3A_32 : i1
      %or3A_284 = arith.ori %lt3A_280, %and3A_283 : i1
      %and3A_285 = arith.andi %ge3A_276, %or3A_284 : i1
      %convert_element_type3A_286 = arith.extui %and3A_285 : i1 to i32
      %cond3A_287 = arith.constant 0 : i32
      %cond3A_288 = arith.cmpi ne, %convert_element_type3A_286, %cond3A_287 : i32
      scf.if %cond3A_288 {
        %sub3A_525 = arith.constant 6 : i32
        %sub3A_526 = arith.subi %add3A_274, %sub3A_525 : i32
        %mul3A_527 = arith.constant 80 : i32
        %mul3A_528 = arith.muli %sub3A_526, %mul3A_527 : i32
        %add3A_529 = arith.addi %add3A_41, %mul3A_528 : i32
        %dma_wait3A = arith.constant 0 : i32
        %dma_wait3A_530 = tpu.memref_slice %arg4[%add3A_529, %dma_wait3A] : memref<40000x128xf32, #tpu.memory_space<hbm>> -> memref<80x128xf32, #tpu.memory_space<hbm>>
        %dma_wait3A_531 = arith.constant 0 : i32
        %dma_wait3A_532 = tpu.memref_slice %arg4[%add3A_529, %dma_wait3A_531] : memref<40000x128xf32, #tpu.memory_space<hbm>> -> memref<80x128xf32, #tpu.memory_space<hbm>>
        tpu.wait_dma2 semaphore(%arg41 : memref<!tpu.dma_semaphore, #tpu.memory_space<semaphore_mem>>) src(%arg17 : memref<80x128xf32, #tpu.memory_space<vmem>>) dst(%dma_wait3A_532 : memref<80x128xf32, #tpu.memory_space<hbm>>)
      } else {
      }
      %add3A_289 = arith.constant 6 : i32
      %add3A_290 = arith.addi %add3A_274, %add3A_289 : i32
      %lt3A_291 = arith.constant 15 : i32
      %lt3A_292 = arith.cmpi slt, %add3A_290, %lt3A_291 : i32
      %lt3A_293 = arith.constant 16 : i32
      %lt3A_294 = arith.cmpi slt, %add3A_290, %lt3A_293 : i32
      %and3A_295 = arith.andi %lt3A_294, %lt3A_32 : i1
      %or3A_296 = arith.ori %lt3A_292, %and3A_295 : i1
      %convert_element_type3A_297 = arith.extui %or3A_296 : i1 to i32
      %cond3A_298 = arith.constant 0 : i32
      %cond3A_299 = arith.cmpi ne, %convert_element_type3A_297, %cond3A_298 : i32
      scf.if %cond3A_299 {
        %add3A_525 = arith.constant 6 : i32
        %add3A_526 = arith.addi %add3A_274, %add3A_525 : i32
        %mul3A_527 = arith.constant 80 : i32
        %mul3A_528 = arith.muli %add3A_526, %mul3A_527 : i32
        %dma_start3A_529 = tpu.memref_slice %arg5[%mul3A_528] : memref<1280xi32, #tpu.memory_space<vmem>> -> memref<80xi32, #tpu.memory_space<vmem>>
        %dma_start3A_530 = arith.constant 0 : i32
        %dma_start3A_531 = tpu.memref_slice %arg2[%mul3A_44, %dma_start3A_530] : memref<400000x128xf32, #tpu.memory_space<hbm>> -> memref<100000x128xf32, #tpu.memory_space<hbm>>
        %dma_start3A_532 = arith.constant 0 : i32
        %dma_start3A_533 = arith.constant 0 : i32
        %dma_start3A_534 = tpu.memref_slice %dma_start3A_531[%dma_start3A_532, %dma_start3A_533] : memref<100000x128xf32, #tpu.memory_space<hbm>> -> memref<100000x128xf32, #tpu.memory_space<hbm>>
        tpu.enqueue_indirect_dma source(%dma_start3A_534 : memref<100000x128xf32, #tpu.memory_space<hbm>>) target(%arg17 : memref<80x128xf32, #tpu.memory_space<vmem>>) offsets(%dma_start3A_529 : memref<80xi32, #tpu.memory_space<vmem>>) semaphore(%arg29 : memref<!tpu.dma_semaphore, #tpu.memory_space<semaphore_mem>>)
      } else {
      }
      %lt3A_300 = arith.constant 15 : i32
      %lt3A_301 = arith.cmpi slt, %add3A_274, %lt3A_300 : i32
      %lt3A_302 = arith.constant 16 : i32
      %lt3A_303 = arith.cmpi slt, %add3A_274, %lt3A_302 : i32
      %and3A_304 = arith.andi %lt3A_303, %lt3A_32 : i1
      %or3A_305 = arith.ori %lt3A_301, %and3A_304 : i1
      %convert_element_type3A_306 = arith.extui %or3A_305 : i1 to i32
      %cond3A_307 = arith.constant 0 : i32
      %cond3A_308 = arith.cmpi ne, %convert_element_type3A_306, %cond3A_307 : i32
      scf.if %cond3A_308 {
        %mul3A_525 = arith.constant 80 : i32
        %mul3A_526 = arith.muli %add3A_274, %mul3A_525 : i32
        %dma_wait3A = tpu.memref_slice %arg5[%mul3A_526] : memref<1280xi32, #tpu.memory_space<vmem>> -> memref<80xi32, #tpu.memory_space<vmem>>
        %dma_wait3A_527 = arith.constant 0 : i32
        %dma_wait3A_528 = tpu.memref_slice %arg2[%mul3A_44, %dma_wait3A_527] : memref<400000x128xf32, #tpu.memory_space<hbm>> -> memref<100000x128xf32, #tpu.memory_space<hbm>>
        %dma_wait3A_529 = arith.constant 0 : i32
        %dma_wait3A_530 = arith.constant 0 : i32
        %dma_wait3A_531 = tpu.memref_slice %dma_wait3A_528[%dma_wait3A_529, %dma_wait3A_530] : memref<100000x128xf32, #tpu.memory_space<hbm>> -> memref<100000x128xf32, #tpu.memory_space<hbm>>
        tpu.wait_indirect_dma semaphore(%arg23 : memref<!tpu.dma_semaphore, #tpu.memory_space<semaphore_mem>>) src(%dma_wait3A_531 : memref<100000x128xf32, #tpu.memory_space<hbm>>) dst(%arg11 : memref<80x128xf32, #tpu.memory_space<vmem>>)
        %mul3A_532 = arith.constant 80 : i32
        %mul3A_533 = arith.muli %add3A_274, %mul3A_532 : i32
        %add3A_534 = arith.addi %add3A_41, %mul3A_533 : i32
        %dma_start3A_535 = arith.constant 0 : i32
        %dma_start3A_536 = tpu.memref_slice %arg4[%add3A_534, %dma_start3A_535] : memref<40000x128xf32, #tpu.memory_space<hbm>> -> memref<80x128xf32, #tpu.memory_space<hbm>>
        %dma_start3A_537 = arith.constant 0 : i32
        %dma_start3A_538 = tpu.memref_slice %arg4[%add3A_534, %dma_start3A_537] : memref<40000x128xf32, #tpu.memory_space<hbm>> -> memref<80x128xf32, #tpu.memory_space<hbm>>
        tpu.enqueue_dma source(%arg11 : memref<80x128xf32, #tpu.memory_space<vmem>>) target(%dma_start3A_538 : memref<80x128xf32, #tpu.memory_space<hbm>>) target_semaphore(%arg35 : memref<!tpu.dma_semaphore, #tpu.memory_space<semaphore_mem>>)
      } else {
      }
      %add3A_309 = arith.constant 6 : i32
      %add3A_310 = arith.addi %add3A_94, %add3A_309 : i32
      %ge3A_311 = arith.constant 6 : i32
      %ge3A_312 = arith.cmpi sge, %add3A_310, %ge3A_311 : i32
      %sub3A_313 = arith.constant 6 : i32
      %sub3A_314 = arith.subi %add3A_310, %sub3A_313 : i32
      %lt3A_315 = arith.constant 15 : i32
      %lt3A_316 = arith.cmpi slt, %sub3A_314, %lt3A_315 : i32
      %lt3A_317 = arith.constant 16 : i32
      %lt3A_318 = arith.cmpi slt, %sub3A_314, %lt3A_317 : i32
      %and3A_319 = arith.andi %lt3A_318, %lt3A_32 : i1
      %or3A_320 = arith.ori %lt3A_316, %and3A_319 : i1
      %and3A_321 = arith.andi %ge3A_312, %or3A_320 : i1
      %convert_element_type3A_322 = arith.extui %and3A_321 : i1 to i32
      %cond3A_323 = arith.constant 0 : i32
      %cond3A_324 = arith.cmpi ne, %convert_element_type3A_322, %cond3A_323 : i32
      scf.if %cond3A_324 {
        %sub3A_525 = arith.constant 6 : i32
        %sub3A_526 = arith.subi %add3A_310, %sub3A_525 : i32
        %mul3A_527 = arith.constant 80 : i32
        %mul3A_528 = arith.muli %sub3A_526, %mul3A_527 : i32
        %add3A_529 = arith.addi %add3A_41, %mul3A_528 : i32
        %dma_wait3A = arith.constant 0 : i32
        %dma_wait3A_530 = tpu.memref_slice %arg4[%add3A_529, %dma_wait3A] : memref<40000x128xf32, #tpu.memory_space<hbm>> -> memref<80x128xf32, #tpu.memory_space<hbm>>
        %dma_wait3A_531 = arith.constant 0 : i32
        %dma_wait3A_532 = tpu.memref_slice %arg4[%add3A_529, %dma_wait3A_531] : memref<40000x128xf32, #tpu.memory_space<hbm>> -> memref<80x128xf32, #tpu.memory_space<hbm>>
        tpu.wait_dma2 semaphore(%arg30 : memref<!tpu.dma_semaphore, #tpu.memory_space<semaphore_mem>>) src(%arg6 : memref<80x128xf32, #tpu.memory_space<vmem>>) dst(%dma_wait3A_532 : memref<80x128xf32, #tpu.memory_space<hbm>>)
      } else {
      }
      %add3A_325 = arith.constant 6 : i32
      %add3A_326 = arith.addi %add3A_310, %add3A_325 : i32
      %lt3A_327 = arith.constant 15 : i32
      %lt3A_328 = arith.cmpi slt, %add3A_326, %lt3A_327 : i32
      %lt3A_329 = arith.constant 16 : i32
      %lt3A_330 = arith.cmpi slt, %add3A_326, %lt3A_329 : i32
      %and3A_331 = arith.andi %lt3A_330, %lt3A_32 : i1
      %or3A_332 = arith.ori %lt3A_328, %and3A_331 : i1
      %convert_element_type3A_333 = arith.extui %or3A_332 : i1 to i32
      %cond3A_334 = arith.constant 0 : i32
      %cond3A_335 = arith.cmpi ne, %convert_element_type3A_333, %cond3A_334 : i32
      scf.if %cond3A_335 {
        %add3A_525 = arith.constant 6 : i32
        %add3A_526 = arith.addi %add3A_310, %add3A_525 : i32
        %mul3A_527 = arith.constant 80 : i32
        %mul3A_528 = arith.muli %add3A_526, %mul3A_527 : i32
        %dma_start3A_529 = tpu.memref_slice %arg5[%mul3A_528] : memref<1280xi32, #tpu.memory_space<vmem>> -> memref<80xi32, #tpu.memory_space<vmem>>
        %dma_start3A_530 = arith.constant 0 : i32
        %dma_start3A_531 = tpu.memref_slice %arg2[%mul3A_44, %dma_start3A_530] : memref<400000x128xf32, #tpu.memory_space<hbm>> -> memref<100000x128xf32, #tpu.memory_space<hbm>>
        %dma_start3A_532 = arith.constant 0 : i32
        %dma_start3A_533 = arith.constant 0 : i32
        %dma_start3A_534 = tpu.memref_slice %dma_start3A_531[%dma_start3A_532, %dma_start3A_533] : memref<100000x128xf32, #tpu.memory_space<hbm>> -> memref<100000x128xf32, #tpu.memory_space<hbm>>
        tpu.enqueue_indirect_dma source(%dma_start3A_534 : memref<100000x128xf32, #tpu.memory_space<hbm>>) target(%arg6 : memref<80x128xf32, #tpu.memory_space<vmem>>) offsets(%dma_start3A_529 : memref<80xi32, #tpu.memory_space<vmem>>) semaphore(%arg18 : memref<!tpu.dma_semaphore, #tpu.memory_space<semaphore_mem>>)
      } else {
      }
      %lt3A_336 = arith.constant 15 : i32
      %lt3A_337 = arith.cmpi slt, %add3A_310, %lt3A_336 : i32
      %lt3A_338 = arith.constant 16 : i32
      %lt3A_339 = arith.cmpi slt, %add3A_310, %lt3A_338 : i32
      %and3A_340 = arith.andi %lt3A_339, %lt3A_32 : i1
      %or3A_341 = arith.ori %lt3A_337, %and3A_340 : i1
      %convert_element_type3A_342 = arith.extui %or3A_341 : i1 to i32
      %cond3A_343 = arith.constant 0 : i32
      %cond3A_344 = arith.cmpi ne, %convert_element_type3A_342, %cond3A_343 : i32
      scf.if %cond3A_344 {
        %mul3A_525 = arith.constant 80 : i32
        %mul3A_526 = arith.muli %add3A_310, %mul3A_525 : i32
        %dma_wait3A = tpu.memref_slice %arg5[%mul3A_526] : memref<1280xi32, #tpu.memory_space<vmem>> -> memref<80xi32, #tpu.memory_space<vmem>>
        %dma_wait3A_527 = arith.constant 0 : i32
        %dma_wait3A_528 = tpu.memref_slice %arg2[%mul3A_44, %dma_wait3A_527] : memref<400000x128xf32, #tpu.memory_space<hbm>> -> memref<100000x128xf32, #tpu.memory_space<hbm>>
        %dma_wait3A_529 = arith.constant 0 : i32
        %dma_wait3A_530 = arith.constant 0 : i32
        %dma_wait3A_531 = tpu.memref_slice %dma_wait3A_528[%dma_wait3A_529, %dma_wait3A_530] : memref<100000x128xf32, #tpu.memory_space<hbm>> -> memref<100000x128xf32, #tpu.memory_space<hbm>>
        tpu.wait_indirect_dma semaphore(%arg24 : memref<!tpu.dma_semaphore, #tpu.memory_space<semaphore_mem>>) src(%dma_wait3A_531 : memref<100000x128xf32, #tpu.memory_space<hbm>>) dst(%arg12 : memref<80x128xf32, #tpu.memory_space<vmem>>)
        %mul3A_532 = arith.constant 80 : i32
        %mul3A_533 = arith.muli %add3A_310, %mul3A_532 : i32
        %add3A_534 = arith.addi %add3A_41, %mul3A_533 : i32
        %dma_start3A_535 = arith.constant 0 : i32
        %dma_start3A_536 = tpu.memref_slice %arg4[%add3A_534, %dma_start3A_535] : memref<40000x128xf32, #tpu.memory_space<hbm>> -> memref<80x128xf32, #tpu.memory_space<hbm>>
        %dma_start3A_537 = arith.constant 0 : i32
        %dma_start3A_538 = tpu.memref_slice %arg4[%add3A_534, %dma_start3A_537] : memref<40000x128xf32, #tpu.memory_space<hbm>> -> memref<80x128xf32, #tpu.memory_space<hbm>>
        tpu.enqueue_dma source(%arg12 : memref<80x128xf32, #tpu.memory_space<vmem>>) target(%dma_start3A_538 : memref<80x128xf32, #tpu.memory_space<hbm>>) target_semaphore(%arg36 : memref<!tpu.dma_semaphore, #tpu.memory_space<semaphore_mem>>)
      } else {
      }
      %add3A_345 = arith.constant 7 : i32
      %add3A_346 = arith.addi %add3A_94, %add3A_345 : i32
      %ge3A_347 = arith.constant 6 : i32
      %ge3A_348 = arith.cmpi sge, %add3A_346, %ge3A_347 : i32
      %sub3A_349 = arith.constant 6 : i32
      %sub3A_350 = arith.subi %add3A_346, %sub3A_349 : i32
      %lt3A_351 = arith.constant 15 : i32
      %lt3A_352 = arith.cmpi slt, %sub3A_350, %lt3A_351 : i32
      %lt3A_353 = arith.constant 16 : i32
      %lt3A_354 = arith.cmpi slt, %sub3A_350, %lt3A_353 : i32
      %and3A_355 = arith.andi %lt3A_354, %lt3A_32 : i1
      %or3A_356 = arith.ori %lt3A_352, %and3A_355 : i1
      %and3A_357 = arith.andi %ge3A_348, %or3A_356 : i1
      %convert_element_type3A_358 = arith.extui %and3A_357 : i1 to i32
      %cond3A_359 = arith.constant 0 : i32
      %cond3A_360 = arith.cmpi ne, %convert_element_type3A_358, %cond3A_359 : i32
      scf.if %cond3A_360 {
        %sub3A_525 = arith.constant 6 : i32
        %sub3A_526 = arith.subi %add3A_346, %sub3A_525 : i32
        %mul3A_527 = arith.constant 80 : i32
        %mul3A_528 = arith.muli %sub3A_526, %mul3A_527 : i32
        %add3A_529 = arith.addi %add3A_41, %mul3A_528 : i32
        %dma_wait3A = arith.constant 0 : i32
        %dma_wait3A_530 = tpu.memref_slice %arg4[%add3A_529, %dma_wait3A] : memref<40000x128xf32, #tpu.memory_space<hbm>> -> memref<80x128xf32, #tpu.memory_space<hbm>>
        %dma_wait3A_531 = arith.constant 0 : i32
        %dma_wait3A_532 = tpu.memref_slice %arg4[%add3A_529, %dma_wait3A_531] : memref<40000x128xf32, #tpu.memory_space<hbm>> -> memref<80x128xf32, #tpu.memory_space<hbm>>
        tpu.wait_dma2 semaphore(%arg31 : memref<!tpu.dma_semaphore, #tpu.memory_space<semaphore_mem>>) src(%arg7 : memref<80x128xf32, #tpu.memory_space<vmem>>) dst(%dma_wait3A_532 : memref<80x128xf32, #tpu.memory_space<hbm>>)
      } else {
      }
      %add3A_361 = arith.constant 6 : i32
      %add3A_362 = arith.addi %add3A_346, %add3A_361 : i32
      %lt3A_363 = arith.constant 15 : i32
      %lt3A_364 = arith.cmpi slt, %add3A_362, %lt3A_363 : i32
      %lt3A_365 = arith.constant 16 : i32
      %lt3A_366 = arith.cmpi slt, %add3A_362, %lt3A_365 : i32
      %and3A_367 = arith.andi %lt3A_366, %lt3A_32 : i1
      %or3A_368 = arith.ori %lt3A_364, %and3A_367 : i1
      %convert_element_type3A_369 = arith.extui %or3A_368 : i1 to i32
      %cond3A_370 = arith.constant 0 : i32
      %cond3A_371 = arith.cmpi ne, %convert_element_type3A_369, %cond3A_370 : i32
      scf.if %cond3A_371 {
        %add3A_525 = arith.constant 6 : i32
        %add3A_526 = arith.addi %add3A_346, %add3A_525 : i32
        %mul3A_527 = arith.constant 80 : i32
        %mul3A_528 = arith.muli %add3A_526, %mul3A_527 : i32
        %dma_start3A_529 = tpu.memref_slice %arg5[%mul3A_528] : memref<1280xi32, #tpu.memory_space<vmem>> -> memref<80xi32, #tpu.memory_space<vmem>>
        %dma_start3A_530 = arith.constant 0 : i32
        %dma_start3A_531 = tpu.memref_slice %arg2[%mul3A_44, %dma_start3A_530] : memref<400000x128xf32, #tpu.memory_space<hbm>> -> memref<100000x128xf32, #tpu.memory_space<hbm>>
        %dma_start3A_532 = arith.constant 0 : i32
        %dma_start3A_533 = arith.constant 0 : i32
        %dma_start3A_534 = tpu.memref_slice %dma_start3A_531[%dma_start3A_532, %dma_start3A_533] : memref<100000x128xf32, #tpu.memory_space<hbm>> -> memref<100000x128xf32, #tpu.memory_space<hbm>>
        tpu.enqueue_indirect_dma source(%dma_start3A_534 : memref<100000x128xf32, #tpu.memory_space<hbm>>) target(%arg7 : memref<80x128xf32, #tpu.memory_space<vmem>>) offsets(%dma_start3A_529 : memref<80xi32, #tpu.memory_space<vmem>>) semaphore(%arg19 : memref<!tpu.dma_semaphore, #tpu.memory_space<semaphore_mem>>)
      } else {
      }
      %lt3A_372 = arith.constant 15 : i32
      %lt3A_373 = arith.cmpi slt, %add3A_346, %lt3A_372 : i32
      %lt3A_374 = arith.constant 16 : i32
      %lt3A_375 = arith.cmpi slt, %add3A_346, %lt3A_374 : i32
      %and3A_376 = arith.andi %lt3A_375, %lt3A_32 : i1
      %or3A_377 = arith.ori %lt3A_373, %and3A_376 : i1
      %convert_element_type3A_378 = arith.extui %or3A_377 : i1 to i32
      %cond3A_379 = arith.constant 0 : i32
      %cond3A_380 = arith.cmpi ne, %convert_element_type3A_378, %cond3A_379 : i32
      scf.if %cond3A_380 {
        %mul3A_525 = arith.constant 80 : i32
        %mul3A_526 = arith.muli %add3A_346, %mul3A_525 : i32
        %dma_wait3A = tpu.memref_slice %arg5[%mul3A_526] : memref<1280xi32, #tpu.memory_space<vmem>> -> memref<80xi32, #tpu.memory_space<vmem>>
        %dma_wait3A_527 = arith.constant 0 : i32
        %dma_wait3A_528 = tpu.memref_slice %arg2[%mul3A_44, %dma_wait3A_527] : memref<400000x128xf32, #tpu.memory_space<hbm>> -> memref<100000x128xf32, #tpu.memory_space<hbm>>
        %dma_wait3A_529 = arith.constant 0 : i32
        %dma_wait3A_530 = arith.constant 0 : i32
        %dma_wait3A_531 = tpu.memref_slice %dma_wait3A_528[%dma_wait3A_529, %dma_wait3A_530] : memref<100000x128xf32, #tpu.memory_space<hbm>> -> memref<100000x128xf32, #tpu.memory_space<hbm>>
        tpu.wait_indirect_dma semaphore(%arg25 : memref<!tpu.dma_semaphore, #tpu.memory_space<semaphore_mem>>) src(%dma_wait3A_531 : memref<100000x128xf32, #tpu.memory_space<hbm>>) dst(%arg13 : memref<80x128xf32, #tpu.memory_space<vmem>>)
        %mul3A_532 = arith.constant 80 : i32
        %mul3A_533 = arith.muli %add3A_346, %mul3A_532 : i32
        %add3A_534 = arith.addi %add3A_41, %mul3A_533 : i32
        %dma_start3A_535 = arith.constant 0 : i32
        %dma_start3A_536 = tpu.memref_slice %arg4[%add3A_534, %dma_start3A_535] : memref<40000x128xf32, #tpu.memory_space<hbm>> -> memref<80x128xf32, #tpu.memory_space<hbm>>
        %dma_start3A_537 = arith.constant 0 : i32
        %dma_start3A_538 = tpu.memref_slice %arg4[%add3A_534, %dma_start3A_537] : memref<40000x128xf32, #tpu.memory_space<hbm>> -> memref<80x128xf32, #tpu.memory_space<hbm>>
        tpu.enqueue_dma source(%arg13 : memref<80x128xf32, #tpu.memory_space<vmem>>) target(%dma_start3A_538 : memref<80x128xf32, #tpu.memory_space<hbm>>) target_semaphore(%arg37 : memref<!tpu.dma_semaphore, #tpu.memory_space<semaphore_mem>>)
      } else {
      }
      %add3A_381 = arith.constant 8 : i32
      %add3A_382 = arith.addi %add3A_94, %add3A_381 : i32
      %ge3A_383 = arith.constant 6 : i32
      %ge3A_384 = arith.cmpi sge, %add3A_382, %ge3A_383 : i32
      %sub3A_385 = arith.constant 6 : i32
      %sub3A_386 = arith.subi %add3A_382, %sub3A_385 : i32
      %lt3A_387 = arith.constant 15 : i32
      %lt3A_388 = arith.cmpi slt, %sub3A_386, %lt3A_387 : i32
      %lt3A_389 = arith.constant 16 : i32
      %lt3A_390 = arith.cmpi slt, %sub3A_386, %lt3A_389 : i32
      %and3A_391 = arith.andi %lt3A_390, %lt3A_32 : i1
      %or3A_392 = arith.ori %lt3A_388, %and3A_391 : i1
      %and3A_393 = arith.andi %ge3A_384, %or3A_392 : i1
      %convert_element_type3A_394 = arith.extui %and3A_393 : i1 to i32
      %cond3A_395 = arith.constant 0 : i32
      %cond3A_396 = arith.cmpi ne, %convert_element_type3A_394, %cond3A_395 : i32
      scf.if %cond3A_396 {
        %sub3A_525 = arith.constant 6 : i32
        %sub3A_526 = arith.subi %add3A_382, %sub3A_525 : i32
        %mul3A_527 = arith.constant 80 : i32
        %mul3A_528 = arith.muli %sub3A_526, %mul3A_527 : i32
        %add3A_529 = arith.addi %add3A_41, %mul3A_528 : i32
        %dma_wait3A = arith.constant 0 : i32
        %dma_wait3A_530 = tpu.memref_slice %arg4[%add3A_529, %dma_wait3A] : memref<40000x128xf32, #tpu.memory_space<hbm>> -> memref<80x128xf32, #tpu.memory_space<hbm>>
        %dma_wait3A_531 = arith.constant 0 : i32
        %dma_wait3A_532 = tpu.memref_slice %arg4[%add3A_529, %dma_wait3A_531] : memref<40000x128xf32, #tpu.memory_space<hbm>> -> memref<80x128xf32, #tpu.memory_space<hbm>>
        tpu.wait_dma2 semaphore(%arg32 : memref<!tpu.dma_semaphore, #tpu.memory_space<semaphore_mem>>) src(%arg8 : memref<80x128xf32, #tpu.memory_space<vmem>>) dst(%dma_wait3A_532 : memref<80x128xf32, #tpu.memory_space<hbm>>)
      } else {
      }
      %add3A_397 = arith.constant 6 : i32
      %add3A_398 = arith.addi %add3A_382, %add3A_397 : i32
      %lt3A_399 = arith.constant 15 : i32
      %lt3A_400 = arith.cmpi slt, %add3A_398, %lt3A_399 : i32
      %lt3A_401 = arith.constant 16 : i32
      %lt3A_402 = arith.cmpi slt, %add3A_398, %lt3A_401 : i32
      %and3A_403 = arith.andi %lt3A_402, %lt3A_32 : i1
      %or3A_404 = arith.ori %lt3A_400, %and3A_403 : i1
      %convert_element_type3A_405 = arith.extui %or3A_404 : i1 to i32
      %cond3A_406 = arith.constant 0 : i32
      %cond3A_407 = arith.cmpi ne, %convert_element_type3A_405, %cond3A_406 : i32
      scf.if %cond3A_407 {
        %add3A_525 = arith.constant 6 : i32
        %add3A_526 = arith.addi %add3A_382, %add3A_525 : i32
        %mul3A_527 = arith.constant 80 : i32
        %mul3A_528 = arith.muli %add3A_526, %mul3A_527 : i32
        %dma_start3A_529 = tpu.memref_slice %arg5[%mul3A_528] : memref<1280xi32, #tpu.memory_space<vmem>> -> memref<80xi32, #tpu.memory_space<vmem>>
        %dma_start3A_530 = arith.constant 0 : i32
        %dma_start3A_531 = tpu.memref_slice %arg2[%mul3A_44, %dma_start3A_530] : memref<400000x128xf32, #tpu.memory_space<hbm>> -> memref<100000x128xf32, #tpu.memory_space<hbm>>
        %dma_start3A_532 = arith.constant 0 : i32
        %dma_start3A_533 = arith.constant 0 : i32
        %dma_start3A_534 = tpu.memref_slice %dma_start3A_531[%dma_start3A_532, %dma_start3A_533] : memref<100000x128xf32, #tpu.memory_space<hbm>> -> memref<100000x128xf32, #tpu.memory_space<hbm>>
        tpu.enqueue_indirect_dma source(%dma_start3A_534 : memref<100000x128xf32, #tpu.memory_space<hbm>>) target(%arg8 : memref<80x128xf32, #tpu.memory_space<vmem>>) offsets(%dma_start3A_529 : memref<80xi32, #tpu.memory_space<vmem>>) semaphore(%arg20 : memref<!tpu.dma_semaphore, #tpu.memory_space<semaphore_mem>>)
      } else {
      }
      %lt3A_408 = arith.constant 15 : i32
      %lt3A_409 = arith.cmpi slt, %add3A_382, %lt3A_408 : i32
      %lt3A_410 = arith.constant 16 : i32
      %lt3A_411 = arith.cmpi slt, %add3A_382, %lt3A_410 : i32
      %and3A_412 = arith.andi %lt3A_411, %lt3A_32 : i1
      %or3A_413 = arith.ori %lt3A_409, %and3A_412 : i1
      %convert_element_type3A_414 = arith.extui %or3A_413 : i1 to i32
      %cond3A_415 = arith.constant 0 : i32
      %cond3A_416 = arith.cmpi ne, %convert_element_type3A_414, %cond3A_415 : i32
      scf.if %cond3A_416 {
        %mul3A_525 = arith.constant 80 : i32
        %mul3A_526 = arith.muli %add3A_382, %mul3A_525 : i32
        %dma_wait3A = tpu.memref_slice %arg5[%mul3A_526] : memref<1280xi32, #tpu.memory_space<vmem>> -> memref<80xi32, #tpu.memory_space<vmem>>
        %dma_wait3A_527 = arith.constant 0 : i32
        %dma_wait3A_528 = tpu.memref_slice %arg2[%mul3A_44, %dma_wait3A_527] : memref<400000x128xf32, #tpu.memory_space<hbm>> -> memref<100000x128xf32, #tpu.memory_space<hbm>>
        %dma_wait3A_529 = arith.constant 0 : i32
        %dma_wait3A_530 = arith.constant 0 : i32
        %dma_wait3A_531 = tpu.memref_slice %dma_wait3A_528[%dma_wait3A_529, %dma_wait3A_530] : memref<100000x128xf32, #tpu.memory_space<hbm>> -> memref<100000x128xf32, #tpu.memory_space<hbm>>
        tpu.wait_indirect_dma semaphore(%arg26 : memref<!tpu.dma_semaphore, #tpu.memory_space<semaphore_mem>>) src(%dma_wait3A_531 : memref<100000x128xf32, #tpu.memory_space<hbm>>) dst(%arg14 : memref<80x128xf32, #tpu.memory_space<vmem>>)
        %mul3A_532 = arith.constant 80 : i32
        %mul3A_533 = arith.muli %add3A_382, %mul3A_532 : i32
        %add3A_534 = arith.addi %add3A_41, %mul3A_533 : i32
        %dma_start3A_535 = arith.constant 0 : i32
        %dma_start3A_536 = tpu.memref_slice %arg4[%add3A_534, %dma_start3A_535] : memref<40000x128xf32, #tpu.memory_space<hbm>> -> memref<80x128xf32, #tpu.memory_space<hbm>>
        %dma_start3A_537 = arith.constant 0 : i32
        %dma_start3A_538 = tpu.memref_slice %arg4[%add3A_534, %dma_start3A_537] : memref<40000x128xf32, #tpu.memory_space<hbm>> -> memref<80x128xf32, #tpu.memory_space<hbm>>
        tpu.enqueue_dma source(%arg14 : memref<80x128xf32, #tpu.memory_space<vmem>>) target(%dma_start3A_538 : memref<80x128xf32, #tpu.memory_space<hbm>>) target_semaphore(%arg38 : memref<!tpu.dma_semaphore, #tpu.memory_space<semaphore_mem>>)
      } else {
      }
      %add3A_417 = arith.constant 9 : i32
      %add3A_418 = arith.addi %add3A_94, %add3A_417 : i32
      %ge3A_419 = arith.constant 6 : i32
      %ge3A_420 = arith.cmpi sge, %add3A_418, %ge3A_419 : i32
      %sub3A_421 = arith.constant 6 : i32
      %sub3A_422 = arith.subi %add3A_418, %sub3A_421 : i32
      %lt3A_423 = arith.constant 15 : i32
      %lt3A_424 = arith.cmpi slt, %sub3A_422, %lt3A_423 : i32
      %lt3A_425 = arith.constant 16 : i32
      %lt3A_426 = arith.cmpi slt, %sub3A_422, %lt3A_425 : i32
      %and3A_427 = arith.andi %lt3A_426, %lt3A_32 : i1
      %or3A_428 = arith.ori %lt3A_424, %and3A_427 : i1
      %and3A_429 = arith.andi %ge3A_420, %or3A_428 : i1
      %convert_element_type3A_430 = arith.extui %and3A_429 : i1 to i32
      %cond3A_431 = arith.constant 0 : i32
      %cond3A_432 = arith.cmpi ne, %convert_element_type3A_430, %cond3A_431 : i32
      scf.if %cond3A_432 {
        %sub3A_525 = arith.constant 6 : i32
        %sub3A_526 = arith.subi %add3A_418, %sub3A_525 : i32
        %mul3A_527 = arith.constant 80 : i32
        %mul3A_528 = arith.muli %sub3A_526, %mul3A_527 : i32
        %add3A_529 = arith.addi %add3A_41, %mul3A_528 : i32
        %dma_wait3A = arith.constant 0 : i32
        %dma_wait3A_530 = tpu.memref_slice %arg4[%add3A_529, %dma_wait3A] : memref<40000x128xf32, #tpu.memory_space<hbm>> -> memref<80x128xf32, #tpu.memory_space<hbm>>
        %dma_wait3A_531 = arith.constant 0 : i32
        %dma_wait3A_532 = tpu.memref_slice %arg4[%add3A_529, %dma_wait3A_531] : memref<40000x128xf32, #tpu.memory_space<hbm>> -> memref<80x128xf32, #tpu.memory_space<hbm>>
        tpu.wait_dma2 semaphore(%arg33 : memref<!tpu.dma_semaphore, #tpu.memory_space<semaphore_mem>>) src(%arg9 : memref<80x128xf32, #tpu.memory_space<vmem>>) dst(%dma_wait3A_532 : memref<80x128xf32, #tpu.memory_space<hbm>>)
      } else {
      }
      %add3A_433 = arith.constant 6 : i32
      %add3A_434 = arith.addi %add3A_418, %add3A_433 : i32
      %lt3A_435 = arith.constant 15 : i32
      %lt3A_436 = arith.cmpi slt, %add3A_434, %lt3A_435 : i32
      %lt3A_437 = arith.constant 16 : i32
      %lt3A_438 = arith.cmpi slt, %add3A_434, %lt3A_437 : i32
      %and3A_439 = arith.andi %lt3A_438, %lt3A_32 : i1
      %or3A_440 = arith.ori %lt3A_436, %and3A_439 : i1
      %convert_element_type3A_441 = arith.extui %or3A_440 : i1 to i32
      %cond3A_442 = arith.constant 0 : i32
      %cond3A_443 = arith.cmpi ne, %convert_element_type3A_441, %cond3A_442 : i32
      scf.if %cond3A_443 {
        %add3A_525 = arith.constant 6 : i32
        %add3A_526 = arith.addi %add3A_418, %add3A_525 : i32
        %mul3A_527 = arith.constant 80 : i32
        %mul3A_528 = arith.muli %add3A_526, %mul3A_527 : i32
        %dma_start3A_529 = tpu.memref_slice %arg5[%mul3A_528] : memref<1280xi32, #tpu.memory_space<vmem>> -> memref<80xi32, #tpu.memory_space<vmem>>
        %dma_start3A_530 = arith.constant 0 : i32
        %dma_start3A_531 = tpu.memref_slice %arg2[%mul3A_44, %dma_start3A_530] : memref<400000x128xf32, #tpu.memory_space<hbm>> -> memref<100000x128xf32, #tpu.memory_space<hbm>>
        %dma_start3A_532 = arith.constant 0 : i32
        %dma_start3A_533 = arith.constant 0 : i32
        %dma_start3A_534 = tpu.memref_slice %dma_start3A_531[%dma_start3A_532, %dma_start3A_533] : memref<100000x128xf32, #tpu.memory_space<hbm>> -> memref<100000x128xf32, #tpu.memory_space<hbm>>
        tpu.enqueue_indirect_dma source(%dma_start3A_534 : memref<100000x128xf32, #tpu.memory_space<hbm>>) target(%arg9 : memref<80x128xf32, #tpu.memory_space<vmem>>) offsets(%dma_start3A_529 : memref<80xi32, #tpu.memory_space<vmem>>) semaphore(%arg21 : memref<!tpu.dma_semaphore, #tpu.memory_space<semaphore_mem>>)
      } else {
      }
      %lt3A_444 = arith.constant 15 : i32
      %lt3A_445 = arith.cmpi slt, %add3A_418, %lt3A_444 : i32
      %lt3A_446 = arith.constant 16 : i32
      %lt3A_447 = arith.cmpi slt, %add3A_418, %lt3A_446 : i32
      %and3A_448 = arith.andi %lt3A_447, %lt3A_32 : i1
      %or3A_449 = arith.ori %lt3A_445, %and3A_448 : i1
      %convert_element_type3A_450 = arith.extui %or3A_449 : i1 to i32
      %cond3A_451 = arith.constant 0 : i32
      %cond3A_452 = arith.cmpi ne, %convert_element_type3A_450, %cond3A_451 : i32
      scf.if %cond3A_452 {
        %mul3A_525 = arith.constant 80 : i32
        %mul3A_526 = arith.muli %add3A_418, %mul3A_525 : i32
        %dma_wait3A = tpu.memref_slice %arg5[%mul3A_526] : memref<1280xi32, #tpu.memory_space<vmem>> -> memref<80xi32, #tpu.memory_space<vmem>>
        %dma_wait3A_527 = arith.constant 0 : i32
        %dma_wait3A_528 = tpu.memref_slice %arg2[%mul3A_44, %dma_wait3A_527] : memref<400000x128xf32, #tpu.memory_space<hbm>> -> memref<100000x128xf32, #tpu.memory_space<hbm>>
        %dma_wait3A_529 = arith.constant 0 : i32
        %dma_wait3A_530 = arith.constant 0 : i32
        %dma_wait3A_531 = tpu.memref_slice %dma_wait3A_528[%dma_wait3A_529, %dma_wait3A_530] : memref<100000x128xf32, #tpu.memory_space<hbm>> -> memref<100000x128xf32, #tpu.memory_space<hbm>>
        tpu.wait_indirect_dma semaphore(%arg27 : memref<!tpu.dma_semaphore, #tpu.memory_space<semaphore_mem>>) src(%dma_wait3A_531 : memref<100000x128xf32, #tpu.memory_space<hbm>>) dst(%arg15 : memref<80x128xf32, #tpu.memory_space<vmem>>)
        %mul3A_532 = arith.constant 80 : i32
        %mul3A_533 = arith.muli %add3A_418, %mul3A_532 : i32
        %add3A_534 = arith.addi %add3A_41, %mul3A_533 : i32
        %dma_start3A_535 = arith.constant 0 : i32
        %dma_start3A_536 = tpu.memref_slice %arg4[%add3A_534, %dma_start3A_535] : memref<40000x128xf32, #tpu.memory_space<hbm>> -> memref<80x128xf32, #tpu.memory_space<hbm>>
        %dma_start3A_537 = arith.constant 0 : i32
        %dma_start3A_538 = tpu.memref_slice %arg4[%add3A_534, %dma_start3A_537] : memref<40000x128xf32, #tpu.memory_space<hbm>> -> memref<80x128xf32, #tpu.memory_space<hbm>>
        tpu.enqueue_dma source(%arg15 : memref<80x128xf32, #tpu.memory_space<vmem>>) target(%dma_start3A_538 : memref<80x128xf32, #tpu.memory_space<hbm>>) target_semaphore(%arg39 : memref<!tpu.dma_semaphore, #tpu.memory_space<semaphore_mem>>)
      } else {
      }
      %add3A_453 = arith.constant 10 : i32
      %add3A_454 = arith.addi %add3A_94, %add3A_453 : i32
      %ge3A_455 = arith.constant 6 : i32
      %ge3A_456 = arith.cmpi sge, %add3A_454, %ge3A_455 : i32
      %sub3A_457 = arith.constant 6 : i32
      %sub3A_458 = arith.subi %add3A_454, %sub3A_457 : i32
      %lt3A_459 = arith.constant 15 : i32
      %lt3A_460 = arith.cmpi slt, %sub3A_458, %lt3A_459 : i32
      %lt3A_461 = arith.constant 16 : i32
      %lt3A_462 = arith.cmpi slt, %sub3A_458, %lt3A_461 : i32
      %and3A_463 = arith.andi %lt3A_462, %lt3A_32 : i1
      %or3A_464 = arith.ori %lt3A_460, %and3A_463 : i1
      %and3A_465 = arith.andi %ge3A_456, %or3A_464 : i1
      %convert_element_type3A_466 = arith.extui %and3A_465 : i1 to i32
      %cond3A_467 = arith.constant 0 : i32
      %cond3A_468 = arith.cmpi ne, %convert_element_type3A_466, %cond3A_467 : i32
      scf.if %cond3A_468 {
        %sub3A_525 = arith.constant 6 : i32
        %sub3A_526 = arith.subi %add3A_454, %sub3A_525 : i32
        %mul3A_527 = arith.constant 80 : i32
        %mul3A_528 = arith.muli %sub3A_526, %mul3A_527 : i32
        %add3A_529 = arith.addi %add3A_41, %mul3A_528 : i32
        %dma_wait3A = arith.constant 0 : i32
        %dma_wait3A_530 = tpu.memref_slice %arg4[%add3A_529, %dma_wait3A] : memref<40000x128xf32, #tpu.memory_space<hbm>> -> memref<80x128xf32, #tpu.memory_space<hbm>>
        %dma_wait3A_531 = arith.constant 0 : i32
        %dma_wait3A_532 = tpu.memref_slice %arg4[%add3A_529, %dma_wait3A_531] : memref<40000x128xf32, #tpu.memory_space<hbm>> -> memref<80x128xf32, #tpu.memory_space<hbm>>
        tpu.wait_dma2 semaphore(%arg34 : memref<!tpu.dma_semaphore, #tpu.memory_space<semaphore_mem>>) src(%arg10 : memref<80x128xf32, #tpu.memory_space<vmem>>) dst(%dma_wait3A_532 : memref<80x128xf32, #tpu.memory_space<hbm>>)
      } else {
      }
      %add3A_469 = arith.constant 6 : i32
      %add3A_470 = arith.addi %add3A_454, %add3A_469 : i32
      %lt3A_471 = arith.constant 15 : i32
      %lt3A_472 = arith.cmpi slt, %add3A_470, %lt3A_471 : i32
      %lt3A_473 = arith.constant 16 : i32
      %lt3A_474 = arith.cmpi slt, %add3A_470, %lt3A_473 : i32
      %and3A_475 = arith.andi %lt3A_474, %lt3A_32 : i1
      %or3A_476 = arith.ori %lt3A_472, %and3A_475 : i1
      %convert_element_type3A_477 = arith.extui %or3A_476 : i1 to i32
      %cond3A_478 = arith.constant 0 : i32
      %cond3A_479 = arith.cmpi ne, %convert_element_type3A_477, %cond3A_478 : i32
      scf.if %cond3A_479 {
        %add3A_525 = arith.constant 6 : i32
        %add3A_526 = arith.addi %add3A_454, %add3A_525 : i32
        %mul3A_527 = arith.constant 80 : i32
        %mul3A_528 = arith.muli %add3A_526, %mul3A_527 : i32
        %dma_start3A_529 = tpu.memref_slice %arg5[%mul3A_528] : memref<1280xi32, #tpu.memory_space<vmem>> -> memref<80xi32, #tpu.memory_space<vmem>>
        %dma_start3A_530 = arith.constant 0 : i32
        %dma_start3A_531 = tpu.memref_slice %arg2[%mul3A_44, %dma_start3A_530] : memref<400000x128xf32, #tpu.memory_space<hbm>> -> memref<100000x128xf32, #tpu.memory_space<hbm>>
        %dma_start3A_532 = arith.constant 0 : i32
        %dma_start3A_533 = arith.constant 0 : i32
        %dma_start3A_534 = tpu.memref_slice %dma_start3A_531[%dma_start3A_532, %dma_start3A_533] : memref<100000x128xf32, #tpu.memory_space<hbm>> -> memref<100000x128xf32, #tpu.memory_space<hbm>>
        tpu.enqueue_indirect_dma source(%dma_start3A_534 : memref<100000x128xf32, #tpu.memory_space<hbm>>) target(%arg10 : memref<80x128xf32, #tpu.memory_space<vmem>>) offsets(%dma_start3A_529 : memref<80xi32, #tpu.memory_space<vmem>>) semaphore(%arg22 : memref<!tpu.dma_semaphore, #tpu.memory_space<semaphore_mem>>)
      } else {
      }
      %lt3A_480 = arith.constant 15 : i32
      %lt3A_481 = arith.cmpi slt, %add3A_454, %lt3A_480 : i32
      %lt3A_482 = arith.constant 16 : i32
      %lt3A_483 = arith.cmpi slt, %add3A_454, %lt3A_482 : i32
      %and3A_484 = arith.andi %lt3A_483, %lt3A_32 : i1
      %or3A_485 = arith.ori %lt3A_481, %and3A_484 : i1
      %convert_element_type3A_486 = arith.extui %or3A_485 : i1 to i32
      %cond3A_487 = arith.constant 0 : i32
      %cond3A_488 = arith.cmpi ne, %convert_element_type3A_486, %cond3A_487 : i32
      scf.if %cond3A_488 {
        %mul3A_525 = arith.constant 80 : i32
        %mul3A_526 = arith.muli %add3A_454, %mul3A_525 : i32
        %dma_wait3A = tpu.memref_slice %arg5[%mul3A_526] : memref<1280xi32, #tpu.memory_space<vmem>> -> memref<80xi32, #tpu.memory_space<vmem>>
        %dma_wait3A_527 = arith.constant 0 : i32
        %dma_wait3A_528 = tpu.memref_slice %arg2[%mul3A_44, %dma_wait3A_527] : memref<400000x128xf32, #tpu.memory_space<hbm>> -> memref<100000x128xf32, #tpu.memory_space<hbm>>
        %dma_wait3A_529 = arith.constant 0 : i32
        %dma_wait3A_530 = arith.constant 0 : i32
        %dma_wait3A_531 = tpu.memref_slice %dma_wait3A_528[%dma_wait3A_529, %dma_wait3A_530] : memref<100000x128xf32, #tpu.memory_space<hbm>> -> memref<100000x128xf32, #tpu.memory_space<hbm>>
        tpu.wait_indirect_dma semaphore(%arg28 : memref<!tpu.dma_semaphore, #tpu.memory_space<semaphore_mem>>) src(%dma_wait3A_531 : memref<100000x128xf32, #tpu.memory_space<hbm>>) dst(%arg16 : memref<80x128xf32, #tpu.memory_space<vmem>>)
        %mul3A_532 = arith.constant 80 : i32
        %mul3A_533 = arith.muli %add3A_454, %mul3A_532 : i32
        %add3A_534 = arith.addi %add3A_41, %mul3A_533 : i32
        %dma_start3A_535 = arith.constant 0 : i32
        %dma_start3A_536 = tpu.memref_slice %arg4[%add3A_534, %dma_start3A_535] : memref<40000x128xf32, #tpu.memory_space<hbm>> -> memref<80x128xf32, #tpu.memory_space<hbm>>
        %dma_start3A_537 = arith.constant 0 : i32
        %dma_start3A_538 = tpu.memref_slice %arg4[%add3A_534, %dma_start3A_537] : memref<40000x128xf32, #tpu.memory_space<hbm>> -> memref<80x128xf32, #tpu.memory_space<hbm>>
        tpu.enqueue_dma source(%arg16 : memref<80x128xf32, #tpu.memory_space<vmem>>) target(%dma_start3A_538 : memref<80x128xf32, #tpu.memory_space<hbm>>) target_semaphore(%arg40 : memref<!tpu.dma_semaphore, #tpu.memory_space<semaphore_mem>>)
      } else {
      }
      %add3A_489 = arith.constant 11 : i32
      %add3A_490 = arith.addi %add3A_94, %add3A_489 : i32
      %ge3A_491 = arith.constant 6 : i32
      %ge3A_492 = arith.cmpi sge, %add3A_490, %ge3A_491 : i32
      %sub3A_493 = arith.constant 6 : i32
      %sub3A_494 = arith.subi %add3A_490, %sub3A_493 : i32
      %lt3A_495 = arith.constant 15 : i32
      %lt3A_496 = arith.cmpi slt, %sub3A_494, %lt3A_495 : i32
      %lt3A_497 = arith.constant 16 : i32
      %lt3A_498 = arith.cmpi slt, %sub3A_494, %lt3A_497 : i32
      %and3A_499 = arith.andi %lt3A_498, %lt3A_32 : i1
      %or3A_500 = arith.ori %lt3A_496, %and3A_499 : i1
      %and3A_501 = arith.andi %ge3A_492, %or3A_500 : i1
      %convert_element_type3A_502 = arith.extui %and3A_501 : i1 to i32
      %cond3A_503 = arith.constant 0 : i32
      %cond3A_504 = arith.cmpi ne, %convert_element_type3A_502, %cond3A_503 : i32
      scf.if %cond3A_504 {
        %sub3A_525 = arith.constant 6 : i32
        %sub3A_526 = arith.subi %add3A_490, %sub3A_525 : i32
        %mul3A_527 = arith.constant 80 : i32
        %mul3A_528 = arith.muli %sub3A_526, %mul3A_527 : i32
        %add3A_529 = arith.addi %add3A_41, %mul3A_528 : i32
        %dma_wait3A = arith.constant 0 : i32
        %dma_wait3A_530 = tpu.memref_slice %arg4[%add3A_529, %dma_wait3A] : memref<40000x128xf32, #tpu.memory_space<hbm>> -> memref<80x128xf32, #tpu.memory_space<hbm>>
        %dma_wait3A_531 = arith.constant 0 : i32
        %dma_wait3A_532 = tpu.memref_slice %arg4[%add3A_529, %dma_wait3A_531] : memref<40000x128xf32, #tpu.memory_space<hbm>> -> memref<80x128xf32, #tpu.memory_space<hbm>>
        tpu.wait_dma2 semaphore(%arg35 : memref<!tpu.dma_semaphore, #tpu.memory_space<semaphore_mem>>) src(%arg11 : memref<80x128xf32, #tpu.memory_space<vmem>>) dst(%dma_wait3A_532 : memref<80x128xf32, #tpu.memory_space<hbm>>)
      } else {
      }
      %add3A_505 = arith.constant 6 : i32
      %add3A_506 = arith.addi %add3A_490, %add3A_505 : i32
      %lt3A_507 = arith.constant 15 : i32
      %lt3A_508 = arith.cmpi slt, %add3A_506, %lt3A_507 : i32
      %lt3A_509 = arith.constant 16 : i32
      %lt3A_510 = arith.cmpi slt, %add3A_506, %lt3A_509 : i32
      %and3A_511 = arith.andi %lt3A_510, %lt3A_32 : i1
      %or3A_512 = arith.ori %lt3A_508, %and3A_511 : i1
      %convert_element_type3A_513 = arith.extui %or3A_512 : i1 to i32
      %cond3A_514 = arith.constant 0 : i32
      %cond3A_515 = arith.cmpi ne, %convert_element_type3A_513, %cond3A_514 : i32
      scf.if %cond3A_515 {
        %add3A_525 = arith.constant 6 : i32
        %add3A_526 = arith.addi %add3A_490, %add3A_525 : i32
        %mul3A_527 = arith.constant 80 : i32
        %mul3A_528 = arith.muli %add3A_526, %mul3A_527 : i32
        %dma_start3A_529 = tpu.memref_slice %arg5[%mul3A_528] : memref<1280xi32, #tpu.memory_space<vmem>> -> memref<80xi32, #tpu.memory_space<vmem>>
        %dma_start3A_530 = arith.constant 0 : i32
        %dma_start3A_531 = tpu.memref_slice %arg2[%mul3A_44, %dma_start3A_530] : memref<400000x128xf32, #tpu.memory_space<hbm>> -> memref<100000x128xf32, #tpu.memory_space<hbm>>
        %dma_start3A_532 = arith.constant 0 : i32
        %dma_start3A_533 = arith.constant 0 : i32
        %dma_start3A_534 = tpu.memref_slice %dma_start3A_531[%dma_start3A_532, %dma_start3A_533] : memref<100000x128xf32, #tpu.memory_space<hbm>> -> memref<100000x128xf32, #tpu.memory_space<hbm>>
        tpu.enqueue_indirect_dma source(%dma_start3A_534 : memref<100000x128xf32, #tpu.memory_space<hbm>>) target(%arg11 : memref<80x128xf32, #tpu.memory_space<vmem>>) offsets(%dma_start3A_529 : memref<80xi32, #tpu.memory_space<vmem>>) semaphore(%arg23 : memref<!tpu.dma_semaphore, #tpu.memory_space<semaphore_mem>>)
      } else {
      }
      %lt3A_516 = arith.constant 15 : i32
      %lt3A_517 = arith.cmpi slt, %add3A_490, %lt3A_516 : i32
      %lt3A_518 = arith.constant 16 : i32
      %lt3A_519 = arith.cmpi slt, %add3A_490, %lt3A_518 : i32
      %and3A_520 = arith.andi %lt3A_519, %lt3A_32 : i1
      %or3A_521 = arith.ori %lt3A_517, %and3A_520 : i1
      %convert_element_type3A_522 = arith.extui %or3A_521 : i1 to i32
      %cond3A_523 = arith.constant 0 : i32
      %cond3A_524 = arith.cmpi ne, %convert_element_type3A_522, %cond3A_523 : i32
      scf.if %cond3A_524 {
        %mul3A_525 = arith.constant 80 : i32
        %mul3A_526 = arith.muli %add3A_490, %mul3A_525 : i32
        %dma_wait3A = tpu.memref_slice %arg5[%mul3A_526] : memref<1280xi32, #tpu.memory_space<vmem>> -> memref<80xi32, #tpu.memory_space<vmem>>
        %dma_wait3A_527 = arith.constant 0 : i32
        %dma_wait3A_528 = tpu.memref_slice %arg2[%mul3A_44, %dma_wait3A_527] : memref<400000x128xf32, #tpu.memory_space<hbm>> -> memref<100000x128xf32, #tpu.memory_space<hbm>>
        %dma_wait3A_529 = arith.constant 0 : i32
        %dma_wait3A_530 = arith.constant 0 : i32
        %dma_wait3A_531 = tpu.memref_slice %dma_wait3A_528[%dma_wait3A_529, %dma_wait3A_530] : memref<100000x128xf32, #tpu.memory_space<hbm>> -> memref<100000x128xf32, #tpu.memory_space<hbm>>
        tpu.wait_indirect_dma semaphore(%arg29 : memref<!tpu.dma_semaphore, #tpu.memory_space<semaphore_mem>>) src(%dma_wait3A_531 : memref<100000x128xf32, #tpu.memory_space<hbm>>) dst(%arg17 : memref<80x128xf32, #tpu.memory_space<vmem>>)
        %mul3A_532 = arith.constant 80 : i32
        %mul3A_533 = arith.muli %add3A_490, %mul3A_532 : i32
        %add3A_534 = arith.addi %add3A_41, %mul3A_533 : i32
        %dma_start3A_535 = arith.constant 0 : i32
        %dma_start3A_536 = tpu.memref_slice %arg4[%add3A_534, %dma_start3A_535] : memref<40000x128xf32, #tpu.memory_space<hbm>> -> memref<80x128xf32, #tpu.memory_space<hbm>>
        %dma_start3A_537 = arith.constant 0 : i32
        %dma_start3A_538 = tpu.memref_slice %arg4[%add3A_534, %dma_start3A_537] : memref<40000x128xf32, #tpu.memory_space<hbm>> -> memref<80x128xf32, #tpu.memory_space<hbm>>
        tpu.enqueue_dma source(%arg17 : memref<80x128xf32, #tpu.memory_space<vmem>>) target(%dma_start3A_538 : memref<80x128xf32, #tpu.memory_space<hbm>>) target_semaphore(%arg41 : memref<!tpu.dma_semaphore, #tpu.memory_space<semaphore_mem>>)
      } else {
      }
    }
    %scan3A_89 = arith.constant 2 : i32
    return
  }
}

</mosaic_0001>

<sc_bundles>
// kernel: kernel.3.cloned.1.call-start
scs
__scs_entry_jumppad:
0x0: {  	(pc) =	sbr.rel $0x88, $3  }
0x1: {  	(tag) =	ssettag $0x0;
	lr =	simm.s32 $0x1  }
0x2: {  	[smem:$0x3F9F] =	sst lr;
	_ =	strace $0xD0000000  }
0x3: {  	_ = 	snop  }
0x4: {  	_ = 	snop  }
0x5: {  	_ = 	snop  }
0x6: {  	_ = 	snop  }
0x7: {  	_ = 	snop  }
__scs_overlays_trampoline_lowered:
0x8: {  	[smem:$0x3FAE] =	sst s0  }
0x9: {  	[smem:$0x3FAF] =	sst s1  }
0xa: {  	[smem:$0x3FB0] =	sst s2  }
0xb: {  	[smem:$0x3FB1] =	sst s3  }
0xc: {  	[smem:$0x3FB2] =	sst s4  }
0xd: {  	[smem:$0x3FB3] =	sst s5  }
0xe: {  	[smem:$0x3FB4] =	sst s6  }
0xf: {  	[smem:$0x3FB5] =	sst s7  }
0x10: {  	[smem:$0x3FB6] =	sst s8  }
0x11: {  	[smem:$0x3FB7] =	sst s9;
	s0 =	simm.s32 @!p0 $0x0  }
0x12: {  	s1 =	sld [smem:$0x3F9D];
	s0 =	simm.s32 @p0 $0x1  }
0x13: {  	[smem:$0x3FB8] =	sst s0;
	s0 =	simm.s32 @!p1 $0x0  }
0x14: {  	s2 =	sld [smem:$0x3F9C];
	s0 =	simm.s32 @p1 $0x1  }
0x15: {  	[smem:$0x3FB9] =	sst s0;
	s0 =	simm.s32 @!p2 $0x0  }
0x16: {  	s3 =	sld [smem:$0x3FDB];
	s0 =	simm.s32 @p2 $0x1  }
0x17: {  	s4 =	simm.s32 $0x1BF5;
	[smem:$0x3FBB] =	sst s0  }
0x18: {  	s0 =	sld [smem:$0x3F9E];
	_ =	swait.ge [sflag:s4], $0x0  }
0x19: {  	s7 =	sld [smem:$0x3F9F]  }
0x1a: {  	s8 =	sadd.s32 $0xFFFFE003, lr  }
0x1b: {  	s9 =	sadd.s32 $0xFFFFFEF7, lr;
	s5 =	simm.s32 $0xFFFFFFFF;
	p2 =	slt.u32 s8, $0xFFFFF086  }
0x1c: {  	p1 =	slt.u32 s9, $0xF7A;
	s5 =	simm.s32 @!p2 $0x0  }
0x1d: {  	s5 =	simm.s32 @p1 $0x1;
	p0 =	seq.s32 s7, s2  }
0x1e: {  	s7 =	smul.u32 @!p0 $0xF7A, s2;
	p2 =	seq.s32 @!p0 s5, $0x0  }
0x1f: {  	s9 =	smul.u32 $0xF7A, s1;
	s8 =	simm.s32 @!p0 $0x1BF5;
	p2 =	por !p2, p0  }
0x20: {  	[sflag:s8] =	ssyncset.s32 @!p0 $0xFFFFF086;
	s6 =	sadd.s32 @!p0 s3, s7;
	s7 =	simm.s32 @!p0 $0x108  }
0x21: {  	s3 =	sadd.s32 s3, s9;
	s6 =	sadd.s32 @!p0 $0x88, s6;
	s7 =	simm.s32 @p2 $0x1082  }
0x22: {  	[simem:s7], [sflag:s8] =	dma.local @!p0 [hbm:s6], $0xF7A  }
0x23: {  	s9 =	sor.u32 $0xD0000000, s2;
	s6 =	simm.s32 $0x108;
	_ =	swait.ge @!p0 [sflag:s8], $0x0  }
0x24: {  	s3 =	sadd.s32 $0x88, s3;
	s6 =	simm.s32 @!p1 $0x1082;
	[sflag:s4] =	ssyncset.s32 $0xFFFFF086  }
0x25: {  	[simem:s6], [sflag:s4] =	dma.local [hbm:s3], $0xF7A  }
0x26: {  	[smem:$0x3F9F] =	sst s1;
	(tag) =	ssettag s2;
	_ =	strace s9  }
0x27: {  	s1 =	sld [smem:$0x3FAF]  }
0x28: {  	s2 =	sld [smem:$0x3FB0]  }
0x29: {  	s4 =	sld [smem:$0x3FB2]  }
0x2a: {  	p0 =	seq.s32 s5, $0x0;
	s5 =	sld [smem:$0x3FB3]  }
0x2b: {  	s6 =	sld [smem:$0x3FB4]  }
0x2c: {  	s7 =	sld [smem:$0x3FB5]  }
0x2d: {  	s3 =	simm.s32 $0x108;
	s8 =	sld [smem:$0x3FB6]  }
0x2e: {  	s3 =	simm.s32 @!p0 $0x1082;
	s9 =	sld [smem:$0x3FB7]  }
0x2f: {  	lr =	sadd.s32 s0, s3;
	s0 =	sld [smem:$0x3FAE]  }
0x30: {  	s3 =	sld [smem:$0x3FB1]  }
0x31: {  	[smem:$0x3FBA] =	sst s10  }
0x32: {  	s10 =	sld [smem:$0x3FB8];
	_ =	sdelay $0x3  }
0x33: {  	p0 =	seq.s32 s10, $0x1;
	s10 =	sld [smem:$0x3FBA];
	_ =	sdelay $0x3  }
0x34: {  	[smem:$0x3FBA] =	sst s10  }
0x35: {  	s10 =	sld [smem:$0x3FB9];
	_ =	sdelay $0x3  }
0x36: {  	p1 =	seq.s32 s10, $0x1;
	s10 =	sld [smem:$0x3FBA];
	_ =	sdelay $0x3  }
0x37: {  	[smem:$0x3FBA] =	sst s10  }
0x38: {  	s10 =	sld [smem:$0x3FBB]  }
0x39: {  	_ = 	snop;
	(pc) =	sbr.ind lr, $3  }
0x3a: {  	_ = 	snop  }
0x3b: {  	_ = 	snop  }
0x3c: {  	p2 =	seq.s32 s10, $0x1;
	s10 =	sld [smem:$0x3FBA]  }
0x3d: {  	_ =	shalt  }
0x3e: {  	_ =	shalt  }
0x3f: {  	_ =	shalt  }
0x40: {  	_ =	shalt  }
0x41: {  	_ =	shalt  }
0x42: {  	_ =	shalt  }
0x43: {  	_ =	shalt  }
0x44: {  	_ =	shalt  }
0x45: {  	_ =	shalt  }
0x46: {  	_ =	shalt  }
0x47: {  	_ =	shalt  }
0x48: {  	_ =	shalt  }
0x49: {  	_ =	shalt  }
0x4a: {  	_ =	shalt  }
0x4b: {  	_ =	shalt  }
0x4c: {  	_ =	shalt  }
0x4d: {  	_ =	shalt  }
0x4e: {  	_ =	shalt  }
0x4f: {  	_ =	shalt  }
0x50: {  	_ =	shalt  }
0x51: {  	_ =	shalt  }
0x52: {  	_ =	shalt  }
0x53: {  	_ =	shalt  }
0x54: {  	_ =	shalt  }
0x55: {  	_ =	shalt  }
0x56: {  	_ =	shalt  }
0x57: {  	_ =	shalt  }
0x58: {  	_ =	shalt  }
0x59: {  	_ =	shalt  }
0x5a: {  	_ =	shalt  }
0x5b: {  	_ =	shalt  }
0x5c: {  	_ =	shalt  }
0x5d: {  	_ =	shalt  }
0x5e: {  	_ =	shalt  }
0x5f: {  	_ =	shalt  }
0x60: {  	_ =	shalt  }
0x61: {  	_ =	shalt  }
0x62: {  	_ =	shalt  }
0x63: {  	_ =	shalt  }
0x64: {  	_ =	shalt  }
0x65: {  	_ =	shalt  }
0x66: {  	_ =	shalt  }
0x67: {  	_ =	shalt  }
0x68: {  	_ =	shalt  }
0x69: {  	_ =	shalt  }
0x6a: {  	_ =	shalt  }
0x6b: {  	_ =	shalt  }
0x6c: {  	_ =	shalt  }
0x6d: {  	_ =	shalt  }
0x6e: {  	_ =	shalt  }
0x6f: {  	_ =	shalt  }
0x70: {  	_ =	shalt  }
0x71: {  	_ =	shalt  }
0x72: {  	_ =	shalt  }
0x73: {  	_ =	shalt  }
0x74: {  	_ =	shalt  }
0x75: {  	_ =	shalt  }
0x76: {  	_ =	shalt  }
0x77: {  	_ =	shalt  }
0x78: {  	_ =	shalt  }
0x79: {  	_ =	shalt  }
0x7a: {  	_ =	shalt  }
0x7b: {  	_ =	shalt  }
0x7c: {  	_ =	shalt  }
0x7d: {  	_ =	shalt  }
0x7e: {  	_ =	shalt  }
0x7f: {  	_ =	shalt  }
0x80: {  	_ =	shalt  }
0x81: {  	_ =	shalt  }
0x82: {  	_ =	shalt  }
0x83: {  	_ =	shalt  }
0x84: {  	_ =	shalt  }
0x85: {  	_ =	shalt  }
0x86: {  	_ =	shalt  }
0x87: {  	_ =	shalt  }
.Lfunc_end0:
.L_simem_size_0:
called_computation_lowered:
.L_overlay_start_0:
0x88: {  	s2 =	sld [smem:$0x3FD9]  }
0x89: {  	s3 =	sld [smem:$0x3FFE];
	_ =	sdelay $0x1  }
0x8a: {  	s1 =	srdreg.scid  }
0x8b: {  	s0 =	sand.u32 $0x1, s1  }
0x8c: {  	s18 =	sshll.u32 s0, $0xA;
	s2 =	sadd.s32 s3, s2  }
0x8d: {  	s2 =	sadd.s32 s2, s18  }
0x8e: {  	[smem:$0x3FC6] =	sst s2  }
0x8f: {  	_ = 	snop  }
0x90: {  	s2 =	sld [smem:$0x3FC9]  }
0x91: {  	s19 =	sld [smem:$0x3FC8]  }
0x92: {  	s4 =	sld [smem:$0x3FD0];
	(tm) =	ssettm $0x1  }
0x93: {  	s5 =	sld [smem:$0x3FFB];
	_ =	sdelay $0x3  }
0x94: {  	_ =	strace s5  }
0x95: {  	s5 =	sld [smem:$0x3FFC];
	_ =	sdelay $0x3  }
0x96: {  	_ =	strace s5  }
0x97: {  	s5 =	sld [smem:$0x3FFD];
	_ =	sdelay $0x3  }
0x98: {  	_ =	strace s5  }
0x99: {  	_ =	strace $0x8FFFFFFF  }
0x9a: {  	s20 =	sld [smem:$0x3FDB];
	_ =	sdelay $0x1  }
0x9b: {  	s6 =	simm.s32 $_scs_section_size  }
0x9c: {  	s7 =	simm.s32 $_size__tile_overlayer_lowered;
	s8 =	simm.s32 $_tile_overlayer_lowered  }
0x9d: {  	s23 =	simm.s32 $0x1BFF;
	s22 =	sshll.u32 s8, $0x1;
	s5 =	sadd.s32 s6, s20  }
0x9e: {  	s9 =	simm.s32 $0x0;
	s21 =	sshll.u32 s7, $0x1;
	s7 =	sadd.s32 s22, s5  }
0x9f: {  	[timem:s9], [sflag:s23] =	dma.local [hbm:s7], s21  }
0xa0: {  	_ =	swait.ge [sflag:s23], s21  }
0xa1: {  	s6 =	ssub.s32 $0x0, s21;
	[sflag:s23] =	ssyncset.done $0x0  }
0xa2: {  	[sflag:s23] =	ssyncadd.s32 s6;
	_ =	sdelay $0x1  }
0xa3: {  	s24 =	simm.s32 $0x1B8B  }
0xa4: {  	_ =	swait.ge [sflag:s24], $0x1  }
0xa5: {  	[sflag:s24] =	ssyncset.done $0x0  }
0xa6: {  	s25 =	simm.s32 $0x1B8E;
	[sflag:s24] =	ssyncadd.s32 $0xFFFFFFFF  }
0xa7: {  	s26 =	simm.s32 $execute0_lowered;
	[smem:$0x3FD2] =	sst s25  }
0xa8: {  	s6 =	sshll.u32 s26, $0x1;
	_ =	strace $0x80000046;
	[dreg:$0x1] =	wrdreg $0xFFFFFFFF  }
0xa9: {  	s28 =	simm.s32 $_size_execute0_lowered;
	s5 =	sadd.s32 s5, s6;
	[dreg:$0x0] =	wrdreg $0x0  }
0xaa: {  	s6 =	sshll.u32 s28, $0x1;
	[dreg:$0x2] =	wrdreg s5  }
0xab: {  	[dreg:$0x3] =	wrdreg s6  }
0xac: {  	[dreg:$0x4] =	wrdreg $0xC0  }
0xad: {  	_ =	task [dreg:s9], $0x5FFFF  }
0xae: {  	[dreg:$0x1] =	wrdreg $0xFFFFFFFF  }
0xaf: {  	[dreg:$0x0] =	wrdreg $0x60  }
0xb0: {  	[dreg:$0x2] =	wrdreg s2  }
0xb1: {  	[dreg:$0x3] =	wrdreg s19  }
0xb2: {  	[dreg:$0x4] =	wrdreg s4  }
0xb3: {  	[dreg:$0x5] =	wrdreg $0x9  }
0xb4: {  	_ =	task.clear_ibuf [dreg:s9], $0x6FFFF;
	_ =	strace $0x90000046  }
0xb5: {  	s29 =	simm.s32 $0x9;
	_ =	strace $0x80000048  }
0xb6: {  	_ =	swait.ge [sflag:s29], $0x1  }
0xb7: {  	[sflag:s29] =	ssyncadd.s32 $0xFFFFFFFF  }
0xb8: {  	_ =	strace $0x90000048  }
0xb9: {  	_ =	sfence  }
0xba: {  	s30 =	sld [smem:$0x0];
	_ =	sdelay $0x2  }
0xbb: {  	s31 =	sshll.u32 s1, $0xD;
	s1 =	sshrl.u32 s1, $0x2  }
0xbc: {  	s3 =	sand.u32 $0x4000, s31;
	s1 =	sadd.s32 s1, s30  }
0xbd: {  	s0 =	sor.u32 s3, s0;
	s1 =	sshll.u32 s1, $0x11  }
0xbe: {  	s0 =	sor.u32 s1, s0  }
0xbf: {  	s0 =	sadd.s32 $0x8F2B, s0  }
0xc0: {  	[sflag:s0] =	ssyncadd.remote.s32 $0x1  }
0xc1: {  	_ =	sfence.sel $0xFFFF  }
0xc2: {  	[dreg:$0x0] =	wrdreg $0xFFFFFFFF;
	(pc) =	sbr.abs _section_cstart, $3  }
0xc3: {  	[dreg:$0x1] =	wrdreg $0xFFFFFFFF  }
0xc4: {  	_ =	task.clear_ibuf [dreg:s9], $0x2FFFF;
	_ =	strace $0x9FFFFFFF  }
0xc5: {  	(tm) =	ssettm $0x7FFFFFFF  }
tec
execute0_lowered:
.L_overlay_start_1:
0x0: {  	(tag) =	ssettag $0x1  }
0x1: {  	s7 =	stileid.u32;
	s6 =	rddreg [dreg:$0x0]  }
0x2: {  	s0 =	srdreg.scid;
	s22 =	rddreg [dreg:$0x1]  }
0x3: {  	s3 =	rddreg [dreg:$0x2];
	s28 =	simm.s32 $0xA;
	s30 =	simm.s32 $0x11  }
0x4: {  	s31 =	simm.s32 $0xB;
	s18 =	simm.s32 $0xC;
	s19 =	simm.s32 $0x1BD00  }
0x5: {  	s21 =	simm.s32 $0x0;
	s1 =	sshll.u32 s7, $0x1;
	s7 =	sshrl.u32 s7, $0x2  }
0x6: {  	s0 =	sand.u32 $0x1, s0;
	s1 =	sand.u32 $0x6, s1;
	s8 =	smul.u32 $0x2710, s7  }
0x7: {  	s24 =	smul.u32 $0x186A00, s7;
	s7 =	simm.s32 $0x19500;
	s2 =	sor.u32 s0, s1  }
0x8: {  	s0 =	ssub.s32 $0x2, s0;
	s1 =	simm.s32 $0x1;
	s4 =	smul.u32 $0xF, s2  }
0x9: {  	s5 =	smin.u32 s2, $0x5;
	s9 =	sshrl.u32 s0, $0x1;
	p0 =	sgt.u32 s2, $0x4  }
0xa: {  	s0 =	ssub.s32 s0, s9;
	s5 =	sadd.s32 s5, s4;
	s4 =	simm.s32 $0x0  }
0xb: {  	s0 =	smax.u32 s0, $0x1;
	s5 =	smul.u32 $0x50, s5;
	[smem:$0x7FF] =	sst s4  }
0xc: {  	p1 =	slt.u32 s2, $0x5;
	_ =	strace $0x80000047;
	[dreg:$0x6] =	wrdreg s0  }
0xd: {  	s0 =	simm.s32 $0x2;
	s10 =	sshrl.u32 s5, $0x3;
	s5 =	sadd.s32 s8, s5  }
0xe: {  	s8 =	sadd.s32 s6, s24;
	s6 =	simm.s32 $0x12;
	s23 =	sadd.s32 s22, s10  }
0xf: {  	s26 =	sshll.u32 s5, $0x4;
	s9 =	sadd.s32 $0x50, s5;
	[dreg:$0x4] =	wrdreg s23  }
0x10: {  	s25 =	sadd.s32 $0x96, s23;
	s29 =	sadd.s32 s26, s3;
	s23 =	simm.s32 $0x3  }
0x11: {  	[dreg:$0x5] =	wrdreg s25;
	s10 =	sadd.s32 $0x1400, s29;
	s11 =	sadd.s32 $0x1900, s29  }
0x12: {  	s12 =	sadd.s32 $0x1E00, s29;
	s13 =	sadd.s32 $0x2300, s29;
	s14 =	sadd.s32 $0x2800, s29  }
0x13: {  	s15 =	sadd.s32 $0x2D00, s29;
	s16 =	sadd.s32 $0x3200, s29;
	s17 =	sadd.s32 $0x3700, s29  }
.LBB2_1:
0x14: {  	[dreg:$0x7] =	wrdreg s21  }
0x15: {  	s20 =	rddreg [dreg:$0x4];
	s26 =	simm.s32 $0x19  }
0x16: {  	[tilespmem:s4], [sflag:$0x19] =	stream.linear.gather [hbm4b:s20+s4], $0x4B0, $0x38;
	[tilespmem:$0x1E500] =	vst v63  }
0x17: {  	_ =	swait.ge [sflag:s26], $0x4B0  }
0x18: {  	s21 =	simm.s32 @!p0 $0x4B0;
	[sflag:s26] =	ssyncset.done $0x0  }
0x19: {  	s20 =	simm.s32 @!p0 $0x0;
	s22 =	rddreg [dreg:$0x5];
	[sflag:s26] =	ssyncadd.s32 $0xFFFFFB50  }
0x1a: {  	[tilespmem:s21], [sflag:$0x19] =	stream.linear.gather @!p0 [hbm4b:s22+s20], $0x50, $0x38;
	[tilespmem:$0x1E500] =	vst v63  }
0x1b: {  	s20 =	simm.s32 @!p0 $0x19  }
0x1c: {  	_ =	swait.ge @!p0 [sflag:s20], $0x50  }
0x1d: {  	[sflag:s20] =	ssyncset.done @!p0 $0x0  }
0x1e: {  	s29 =	simm.s32 $0x500;
	[sflag:s20] =	ssyncadd.s32 @!p0 $0xFFFFFFB0;
	s20 =	simm.s32 $0x50  }
0x1f: {  	[tilespmem:s29], [sflag:$0x1] =	stream.indirect.gather [hbm4b:s8+s20], $0x80, s4, s20, $0xb8;
	[tilespmem:$0x1E500] =	vst v63  }
0x20: {  	s22 =	simm.s32 $0x2D00  }
0x21: {  	[tilespmem:s22], [sflag:$0x2] =	stream.indirect.gather [hbm4b:s8+s20], $0x80, s20, s20, $0xb8;
	[tilespmem:$0x1E500] =	vst v63  }
0x22: {  	s24 =	simm.s32 $0xA0;
	s25 =	simm.s32 $0x5500  }
0x23: {  	[tilespmem:s25], [sflag:$0x3] =	stream.indirect.gather [hbm4b:s8+s20], $0x80, s24, s20, $0xb8;
	[tilespmem:$0x1E500] =	vst v63  }
0x24: {  	s26 =	simm.s32 $0xF0;
	s29 =	simm.s32 $0x7D00  }
0x25: {  	[tilespmem:s29], [sflag:$0x4] =	stream.indirect.gather [hbm4b:s8+s20], $0x80, s26, s20, $0xb8;
	[tilespmem:$0x1E500] =	vst v63  }
.Ltmp0:
0x26: {  	_ = 	snop;
	(pc) =	sbr.rel .LBB2_2-.Ltmp0, $4  }
0x27: {  	p2 =	por $0x1, $0x1;
	s24 =	simm.s32 $0x140;
	s25 =	simm.s32 $0xA500  }
0x28: {  	[tilespmem:s25], [sflag:$0x5] =	stream.indirect.gather [hbm4b:s8+s20], $0x80, s24, s20, $0xb8;
	[tilespmem:$0x1E500] =	vst v63  }
0x29: {  	s21 =	simm.s32 $0x0;
	s26 =	simm.s32 $0x190;
	s29 =	simm.s32 $0xCD00  }
0x2a: {  	[tilespmem:s29], [sflag:$0x6] =	stream.indirect.gather [hbm4b:s8+s20], $0x80, s26, s20, $0xb8;
	[tilespmem:$0x1E500] =	vst v63  }
.LBB2_3:
0x2b: {  	s20 =	simm.s32 $0x50;
	s21 =	simm.s32 $0x7D00;
	s22 =	simm.s32 $0x4B0  }
0x2c: {  	[tilespmem:s21], [sflag:$0x4] =	stream.indirect.gather [hbm4b:s8+s20], $0x80, s22, s20, $0xb8;
	[tilespmem:$0x1E500] =	vst v63  }
.LBB2_5:
0x2d: {  	_ =	swait.ge [sflag:s28], $0x2800  }
0x2e: {  	[sflag:s28] =	ssyncset.done $0x0  }
0x2f: {  	s20 =	simm.s32 $0x16D00;
	[sflag:s28] =	ssyncadd.s32 $0xFFFFD800  }
0x30: {  	[hbm4b:s15+s4] =	stream.linear.scatter [tilespmem:s20], [sflag:$0x16], $0x2800, $0x38;
	[tilespmem:$0x1E500] =	vst v63  }
0x31: {  	_ =	swait.ge [sflag:s30], $0x2800  }
0x32: {  	[sflag:s30] =	ssyncset.done $0x0  }
0x33: {  	[sflag:s30] =	ssyncadd.s32 $0xFFFFD800  }
0x34: {  	_ =	swait.ge [sflag:s31], $0x2800  }
0x35: {  	[sflag:s31] =	ssyncset.done $0x0  }
0x36: {  	[sflag:s31] =	ssyncadd.s32 $0xFFFFD800  }
0x37: {  	[hbm4b:s16+s4] =	stream.linear.scatter [tilespmem:s7], [sflag:$0x17], $0x2800, $0x38;
	[tilespmem:$0x1E500] =	vst v63  }
0x38: {  	_ =	swait.ge [sflag:s6], $0x2800  }
0x39: {  	[sflag:s6] =	ssyncset.done $0x0  }
0x3a: {  	[sflag:s6] =	ssyncadd.s32 $0xFFFFD800  }
0x3b: {  	_ =	swait.ge [sflag:s18], $0x2800  }
0x3c: {  	[sflag:s18] =	ssyncset.done $0x0  }
0x3d: {  	s21 =	simm.s32 $0x1;
	p2 =	por $0x0, $0x0;
	[sflag:s18] =	ssyncadd.s32 $0xFFFFD800  }
0x3e: {  	[hbm4b:s17+s4] =	stream.linear.scatter [tilespmem:s19], [sflag:$0x18], $0x2800, $0x38;
	[tilespmem:$0x1E500] =	vst v63  }
.LBB2_2:
0x3f: {  	s26 =	simm.s32 @p2 $0x50;
	s20 =	simm.s32 @p2 $0x1E0;
	s25 =	simm.s32 @p2 $0xF500  }
0x40: {  	[tilespmem:s25], [sflag:$0x7] =	stream.indirect.gather @p2 [hbm4b:s8+s26], $0x80, s20, s26, $0xb8;
	[tilespmem:$0x1E500] =	vst v63  }
0x41: {  	s20 =	simm.s32 @!p2 $0x13  }
0x42: {  	_ =	swait.ge @!p2 [sflag:s20], $0x2800  }
0x43: {  	s22 =	smul.u32 $0x3C0, s21;
	[sflag:s20] =	ssyncset.done @!p2 $0x0  }
0x44: {  	[sflag:s20] =	ssyncadd.s32 @!p2 $0xFFFFD800  }
0x45: {  	s29 =	sadd.s32 s5, s22;
	_ =	swait.ge [sflag:s1], $0x2800  }
0x46: {  	s20 =	sshll.u32 s29, $0x4;
	[sflag:s1] =	ssyncset.done $0x0  }
0x47: {  	s24 =	simm.s32 $0x500;
	s20 =	sadd.s32 s3, s20;
	[sflag:s1] =	ssyncadd.s32 $0xFFFFD800  }
0x48: {  	[hbm4b:s20+s4] =	stream.linear.scatter [tilespmem:s24], [sflag:$0xD], $0x2800, $0x38;
	[tilespmem:$0x1E500] =	vst v63  }
0x49: {  	s24 =	simm.s32 @p2 $0x230;
	s20 =	simm.s32 @p2 $0x11D00  }
0x4a: {  	[tilespmem:s20], [sflag:$0x8] =	stream.indirect.gather @p2 [hbm4b:s8+s26], $0x80, s24, s26, $0xb8;
	[tilespmem:$0x1E500] =	vst v63  }
0x4b: {  	s24 =	simm.s32 @!p2 $0x14  }
0x4c: {  	_ =	swait.ge @!p2 [sflag:s24], $0x2800  }
0x4d: {  	[sflag:s24] =	ssyncset.done @!p2 $0x0  }
0x4e: {  	s22 =	sadd.s32 s22, s9;
	[sflag:s24] =	ssyncadd.s32 @!p2 $0xFFFFD800  }
0x4f: {  	s22 =	sshll.u32 s22, $0x4;
	_ =	swait.ge [sflag:s0], $0x2800  }
0x50: {  	s22 =	sadd.s32 s3, s22;
	[sflag:s0] =	ssyncset.done $0x0  }
0x51: {  	s29 =	simm.s32 $0x2D00;
	s24 =	smul.u32 $0xC, s21;
	[sflag:s0] =	ssyncadd.s32 $0xFFFFD800  }
0x52: {  	[hbm4b:s22+s4] =	stream.linear.scatter [tilespmem:s29], [sflag:$0xE], $0x2800, $0x38;
	[tilespmem:$0x1E500] =	vst v63  }
0x53: {  	s22 =	sor.u32 $0x2, s24  }
0x54: {  	p3 =	slt.u32 s22, $0x6  }
0x55: {  	s21 =	simm.s32 @!p3 $0x15  }
0x56: {  	_ =	swait.ge @!p3 [sflag:s21], $0x2800  }
0x57: {  	s29 =	simm.s32 @p2 $0x280;
	[sflag:s21] =	ssyncset.done @!p3 $0x0  }
0x58: {  	s22 =	smul.u32 $0x50, s22;
	[sflag:s21] =	ssyncadd.s32 @!p3 $0xFFFFD800;
	s21 =	simm.s32 @p2 $0x14500  }
0x59: {  	[tilespmem:s21], [sflag:$0x9] =	stream.indirect.gather @p2 [hbm4b:s8+s26], $0x80, s29, s26, $0xb8;
	[tilespmem:$0x1E500] =	vst v63  }
0x5a: {  	s22 =	sadd.s32 s5, s22;
	_ =	swait.ge [sflag:s23], $0x2800  }
0x5b: {  	s22 =	sshll.u32 s22, $0x4;
	[sflag:s23] =	ssyncset.done $0x0  }
0x5c: {  	s22 =	sadd.s32 s3, s22;
	s29 =	simm.s32 $0x5500;
	[sflag:s23] =	ssyncadd.s32 $0xFFFFD800  }
0x5d: {  	[hbm4b:s22+s4] =	stream.linear.scatter [tilespmem:s29], [sflag:$0xF], $0x2800, $0x38;
	[tilespmem:$0x1E500] =	vst v63  }
0x5e: {  	s22 =	sor.u32 $0x3, s24  }
0x5f: {  	p3 =	slt.u32 s22, $0x6  }
0x60: {  	s24 =	simm.s32 @!p3 $0x16  }
0x61: {  	_ =	swait.ge @!p3 [sflag:s24], $0x2800  }
0x62: {  	s29 =	simm.s32 @p2 $0x16D00;
	[sflag:s24] =	ssyncset.done @!p3 $0x0  }
0x63: {  	[sflag:s24] =	ssyncadd.s32 @!p3 $0xFFFFD800;
	s24 =	simm.s32 @p2 $0x2D0;
	p3 =	por p1, p2  }
0x64: {  	[tilespmem:s29], [sflag:$0xA] =	stream.indirect.gather @p2 [hbm4b:s8+s26], $0x80, s24, s26, $0xb8;
	[tilespmem:$0x1E500] =	vst v63  }
0x65: {  	s22 =	smul.u32 @p3 $0x50, s22  }
0x66: {  	s24 =	simm.s32 @p3 $0x4  }
0x67: {  	_ =	swait.ge @p3 [sflag:s24], $0x2800;
	s22 =	sadd.s32 @p3 s5, s22  }
0x68: {  	s29 =	simm.s32 @p3 $0x7D00;
	[sflag:s24] =	ssyncset.done @p3 $0x0;
	s22 =	sshll.u32 @p3 s22, $0x4  }
0x69: {  	[sflag:s24] =	ssyncadd.s32 @p3 $0xFFFFD800;
	s24 =	simm.s32 @p3 $0x0;
	s22 =	sadd.s32 @p3 s3, s22  }
0x6a: {  	[hbm4b:s22+s24] =	stream.linear.scatter @p3 [tilespmem:s29], [sflag:$0x10], $0x2800, $0x38;
	[tilespmem:$0x1E500] =	vst v63  }
0x6b: {  	s22 =	simm.s32 @p2 $0x320;
	s24 =	simm.s32 @p2 $0x19500  }
0x6c: {  	[tilespmem:s24], [sflag:$0xB] =	stream.indirect.gather @p2 [hbm4b:s8+s26], $0x80, s22, s26, $0xb8;
	[tilespmem:$0x1E500] =	vst v63  }
0x6d: {  	s22 =	simm.s32 @p2 $0x5  }
0x6e: {  	_ =	swait.ge @p2 [sflag:s22], $0x2800  }
0x6f: {  	[sflag:s22] =	ssyncset.done @p2 $0x0  }
0x70: {  	s24 =	simm.s32 @p2 $0xA500;
	[sflag:s22] =	ssyncadd.s32 @p2 $0xFFFFD800;
	s22 =	simm.s32 @p2 $0x0  }
0x71: {  	[hbm4b:s10+s22] =	stream.linear.scatter @p2 [tilespmem:s24], [sflag:$0x11], $0x2800, $0x38;
	[tilespmem:$0x1E500] =	vst v63  }
0x72: {  	s29 =	simm.s32 @p2 $0x1BD00;
	s24 =	simm.s32 @p2 $0x370  }
0x73: {  	[tilespmem:s29], [sflag:$0xC] =	stream.indirect.gather @p2 [hbm4b:s8+s26], $0x80, s24, s26, $0xb8;
	[tilespmem:$0x1E500] =	vst v63  }
0x74: {  	s24 =	simm.s32 @p2 $0x6  }
0x75: {  	_ =	swait.ge @p2 [sflag:s24], $0x2800  }
0x76: {  	[sflag:s24] =	ssyncset.done @p2 $0x0  }
0x77: {  	[sflag:s24] =	ssyncadd.s32 @p2 $0xFFFFD800;
	s24 =	simm.s32 @p2 $0xCD00  }
0x78: {  	[hbm4b:s11+s22] =	stream.linear.scatter @p2 [tilespmem:s24], [sflag:$0x12], $0x2800, $0x38;
	[tilespmem:$0x1E500] =	vst v63  }
0x79: {  	s24 =	simm.s32 @p2 $0xD  }
0x7a: {  	_ =	swait.ge @p2 [sflag:s24], $0x2800  }
0x7b: {  	[sflag:s24] =	ssyncset.done @p2 $0x0  }
0x7c: {  	s29 =	simm.s32 @p2 $0x500;
	[sflag:s24] =	ssyncadd.s32 @p2 $0xFFFFD800;
	s24 =	simm.s32 @p2 $0x3C0  }
0x7d: {  	[tilespmem:s29], [sflag:$0x1] =	stream.indirect.gather @p2 [hbm4b:s8+s26], $0x80, s24, s26, $0xb8;
	[tilespmem:$0x1E500] =	vst v63  }
0x7e: {  	s24 =	simm.s32 @p2 $0x7  }
0x7f: {  	_ =	swait.ge @p2 [sflag:s24], $0x2800  }
0x80: {  	[sflag:s24] =	ssyncset.done @p2 $0x0  }
0x81: {  	[sflag:s24] =	ssyncadd.s32 @p2 $0xFFFFD800;
	s24 =	simm.s32 @p2 $0xE  }
0x82: {  	[hbm4b:s12+s22] =	stream.linear.scatter @p2 [tilespmem:s25], [sflag:$0x13], $0x2800, $0x38;
	[tilespmem:$0x1E500] =	vst v63  }
0x83: {  	_ =	swait.ge @p2 [sflag:s24], $0x2800  }
0x84: {  	[sflag:s24] =	ssyncset.done @p2 $0x0  }
0x85: {  	s25 =	simm.s32 @p2 $0x2D00;
	[sflag:s24] =	ssyncadd.s32 @p2 $0xFFFFD800;
	s24 =	simm.s32 @p2 $0x410  }
0x86: {  	[tilespmem:s25], [sflag:$0x2] =	stream.indirect.gather @p2 [hbm4b:s8+s26], $0x80, s24, s26, $0xb8;
	[tilespmem:$0x1E500] =	vst v63  }
0x87: {  	s24 =	simm.s32 @p2 $0x8  }
0x88: {  	_ =	swait.ge @p2 [sflag:s24], $0x2800  }
0x89: {  	[sflag:s24] =	ssyncset.done @p2 $0x0  }
0x8a: {  	[sflag:s24] =	ssyncadd.s32 @p2 $0xFFFFD800  }
0x8b: {  	[hbm4b:s13+s22] =	stream.linear.scatter @p2 [tilespmem:s20], [sflag:$0x14], $0x2800, $0x38;
	[tilespmem:$0x1E500] =	vst v63  }
0x8c: {  	s20 =	simm.s32 @p2 $0xF  }
0x8d: {  	_ =	swait.ge @p2 [sflag:s20], $0x2800  }
0x8e: {  	[sflag:s20] =	ssyncset.done @p2 $0x0  }
0x8f: {  	s24 =	simm.s32 @p2 $0x5500;
	[sflag:s20] =	ssyncadd.s32 @p2 $0xFFFFD800;
	s20 =	simm.s32 @p2 $0x460  }
0x90: {  	[tilespmem:s24], [sflag:$0x3] =	stream.indirect.gather @p2 [hbm4b:s8+s26], $0x80, s20, s26, $0xb8;
	[tilespmem:$0x1E500] =	vst v63  }
0x91: {  	s20 =	simm.s32 @p2 $0x9  }
0x92: {  	_ =	swait.ge @p2 [sflag:s20], $0x2800  }
0x93: {  	[sflag:s20] =	ssyncset.done @p2 $0x0  }
0x94: {  	[sflag:s20] =	ssyncadd.s32 @p2 $0xFFFFD800;
	s20 =	simm.s32 @!p2 $0x17  }
0x95: {  	[hbm4b:s14+s22] =	stream.linear.scatter @p2 [tilespmem:s21], [sflag:$0x15], $0x2800, $0x38;
	[tilespmem:$0x1E500] =	vst v63  }
0x96: {  	_ =	swait.ge @!p2 [sflag:s20], $0x2800  }
0x97: {  	[sflag:s20] =	ssyncset.done @!p2 $0x0  }
0x98: {  	[sflag:s20] =	ssyncadd.s32 @!p2 $0xFFFFD800;
	s20 =	simm.s32 @!p2 $0x18  }
0x99: {  	_ =	swait.ge @!p2 [sflag:s20], $0x2800  }
0x9a: {  	[sflag:s20] =	ssyncset.done @!p2 $0x0  }
0x9b: {  	[sflag:s20] =	ssyncadd.s32 @!p2 $0xFFFFD800;
	s20 =	simm.s32 @!p2 $0xD  }
0x9c: {  	_ =	swait.ge @!p2 [sflag:s20], $0x2800  }
0x9d: {  	[sflag:s20] =	ssyncset.done @!p2 $0x0  }
0x9e: {  	[sflag:s20] =	ssyncadd.s32 @!p2 $0xFFFFD800;
	s20 =	simm.s32 @!p2 $0xE  }
0x9f: {  	_ =	swait.ge @!p2 [sflag:s20], $0x2800  }
0xa0: {  	p4 =	sgt.u32 @p3 s2, $0x4;
	p5 =	por @p3 !p2, !p2;
	[sflag:s20] =	ssyncset.done @!p2 $0x0  }
0xa1: {  	p4 =	por @p3 p4, p5;
	[sflag:s20] =	ssyncadd.s32 @!p2 $0xFFFFD800;
	s20 =	simm.s32 @!p2 $0xF  }
0xa2: {  	p4 =	por !p3, p4;
	_ =	swait.ge @!p2 [sflag:s20], $0x2800  }
.Ltmp1:
0xa3: {  	[sflag:s20] =	ssyncset.done @!p2 $0x0;
	(pc) =	sbr.rel @!p4 .LBB2_3-.Ltmp1, $4  }
0xa4: {  	[sflag:s20] =	ssyncadd.s32 @!p2 $0xFFFFD800;
	s20 =	simm.s32 @p3 $0x10  }
0xa5: {  	_ =	swait.ge @p3 [sflag:s20], $0x2800  }
0xa6: {  	[sflag:s20] =	ssyncset.done @p3 $0x0  }
0xa7: {  	[sflag:s20] =	ssyncadd.s32 @p3 $0xFFFFD800  }
.Ltmp2:
0xa8: {  	(pc) =	sbr.rel @p2 .LBB2_5-.Ltmp2, $1  }
0xa9: {  	_ =	sdelay $0x3  }
0xaa: {  	s21 =	rddreg [dreg:$0x7]  }
0xab: {  	s20 =	rddreg [dreg:$0x6];
	s21 =	sadd.s32 $0x1, s21  }
0xac: {  	p2 =	sne.s32 s21, s20  }
.Ltmp3:
0xad: {  	_ = 	snop;
	(pc) =	sbr.rel @p2 .LBB2_1-.Ltmp3, $1  }
0xae: {  	_ =	sdelay $0x3  }
0xaf: {  	_ =	sfence.sel $0x180000  }
0xb0: {  	[bflag:$0x0] =	sbarrier.arrive $0xFFFF  }
0xb1: {  	_ =	strace $0x90000047  }
0xb2: {  	s0 =	stileid.u32;
	[bflag:$0x2] =	sbarrier.arrive $0xFFFF  }
0xb3: {  	p0 =	sne.s32 s0, $0x0;
	s0 =	rddreg [dreg:$0x3]  }
0xb4: {  	s0 =	sadd.s32 @!p0 $0x100000, s0  }
0xb5: {  	[sflag:s0] =	ssyncadd.tile.s32 @!p0 $0x1;
	_ =	shalt  }
.Lfunc_end2:
_tile_overlayer_lowered:
.L_overlay_start_2:
0xb6: {  	(tag) =	ssettag $0x2  }
0xb7: {  	s0 =	rddreg [dreg:$0x0];
	s2 =	stileid.u32  }
0xb8: {  	s1 =	rddreg [dreg:$0x1];
	p0 =	sne.s32 s2, $0x0  }
0xb9: {  	s3 =	rddreg [dreg:$0x2];
	[bflag:$0x3] =	sbarrier.arrive $0xFFFF;
	s2 =	simm.s32 @!p0 $0x1C19  }
0xba: {  	[timem:s3], [sflag:s2] =	dma.local @!p0 [hbm:s0], s1  }
0xbb: {  	s0 =	simm.s32 @!p0 $0x19  }
0xbc: {  	_ =	swait.ge @!p0 [sflag:s0], s1  }
0xbd: {  	s1 =	ssub.s32 @!p0 $0x0, s1;
	[sflag:s0] =	ssyncset.done @!p0 $0x0  }
0xbe: {  	[sflag:s0] =	ssyncadd.s32 @!p0 s1  }
0xbf: {  	[bflag:$0x3] =	sbarrier.arrive $0xFFFF  }
0xc0: {  	_ =	shalt  }

</sc_bundles>
